<compile_context>
chip_gen: v7x
topology: tpu7x:2x2x1
jax: 0.10.2.dev20260603
libtpu: 0.0.44.dev20260713+nightly
codegen_flags: <defaults>
</compile_context>

<pallas_src>
import functools

import jax
import jax.numpy as jnp
from jax import lax
from jax.experimental import pallas as pl
from jax.experimental.pallas import tpu as pltpu
from jax.experimental.pallas import tpu_sc as plsc

N = 10000
NP = 10240
E = 160000
EP = 163840
D_IN = 256
D_HID = 512
NQ = 4
NC = 2
NS = 16
C = 128
RT = NP // NS
LCH = EP // NS // C
DCH = EP // (NC * NS) // C

_mesh = plsc.VectorSubcoreMesh(core_axis_name="c", subcore_axis_name="s")


@functools.partial(
    pl.kernel,
    out_type=jax.ShapeDtypeStruct((NC, NP, 16), jnp.float32),
    mesh=_mesh,
    scratch_types=[
        pltpu.VMEM((DCH, C), jnp.int32),
        pltpu.VMEM((C, 16), jnp.float32),
        pltpu.VMEM_SHARED((NP, 16), jnp.float32),
    ],
)
def _deg_counts(dst_hbm, ones_hbm, zeros_hbm, out_hbm, idx_v, ones_v, acc_sh):
    c = lax.axis_index("c")
    s = lax.axis_index("s")
    pltpu.sync_copy(dst_hbm.at[c, s], idx_v)
    pltpu.sync_copy(ones_hbm, ones_v)
    pltpu.sync_copy(zeros_hbm, acc_sh.at[pl.ds(s * RT, RT)])
    plsc.subcore_barrier()

    def body(j, carry):
        pltpu.sync_copy(ones_v, acc_sh.at[idx_v.at[j]], add=True)
        return carry

    lax.fori_loop(0, DCH, body, 0)
    plsc.subcore_barrier()
    pltpu.sync_copy(acc_sh.at[pl.ds(s * RT, RT)], out_hbm.at[c, pl.ds(s * RT, RT)])


@functools.partial(
    pl.kernel,
    out_type=jax.ShapeDtypeStruct((NQ, NP, 128), jnp.float32),
    mesh=_mesh,
    scratch_types=[
        pltpu.VMEM((LCH, C), jnp.int32),
        pltpu.VMEM((LCH, C), jnp.int32),
        pltpu.VMEM((C,), jnp.int32),
        pltpu.VMEM((C, 128), jnp.float32),
        pltpu.VMEM_SHARED((NP, 128), jnp.float32),
        pltpu.SemaphoreType.DMA,
    ],
)
def _gcn_aggregate(g_hbm, src_hbm, dst_hbm, out_hbm,
                   src_v, dst_v, idx_v, rows_v, acc_sh, sem):
    c = lax.axis_index("c")
    s = lax.axis_index("s")
    pltpu.sync_copy(src_hbm.at[s], src_v)
    pltpu.sync_copy(dst_hbm.at[s], dst_v)
    for qi in range(NQ // NC):
        q = c * (NQ // NC) + qi
        row0 = q * NP
        pltpu.sync_copy(g_hbm.at[pl.ds(row0 + s * RT, RT)],
                        acc_sh.at[pl.ds(s * RT, RT)])
        plsc.subcore_barrier()

        def body(j, carry):
            for k in range(C // 16):
                sl = pl.ds(k * 16, 16)
                idx_v[sl] = src_v[j, sl] + row0
            pltpu.async_copy(g_hbm.at[idx_v], rows_v, sem).wait()
            pltpu.sync_copy(rows_v, acc_sh.at[dst_v.at[j]], add=True)
            return carry

        lax.fori_loop(0, LCH, body, 0)
        plsc.subcore_barrier()
        pltpu.sync_copy(acc_sh.at[pl.ds(s * RT, RT)],
                        out_hbm.at[q, pl.ds(s * RT, RT)])


def _dis_from(degp):
    deg = 1.0 + degp[0, :, 0:1] + degp[1, :, 0:1]
    return lax.rsqrt(deg)


def _tc1_body(x_ref, w_ref, degp_ref, out_ref):
    dis = _dis_from(degp_ref[...])
    out_ref[0] = jnp.dot(x_ref[...], w_ref[...],
                         preferred_element_type=jnp.float32) * dis


def _tc2_body(s_ref, degp_ref, w_ref, b_ref, out_ref):
    dis = _dis_from(degp_ref[...])
    sblk = s_ref[...]
    hcat = jnp.concatenate([sblk[i] for i in range(NQ)], axis=1)
    h = jnp.maximum(hcat * dis + b_ref[...], 0.0)
    o = jnp.dot(h, w_ref[...], preferred_element_type=jnp.float32) * dis
    for qi in range(NQ):
        out_ref[qi] = o[:, qi * 128:(qi + 1) * 128]


def _tc3_body(s_ref, degp_ref, b_ref, wfc_ref, bfc_ref, out_ref):
    dis = _dis_from(degp_ref[...])
    sblk = s_ref[...]
    hcat = jnp.concatenate([sblk[i] for i in range(NQ)], axis=1)
    h = jnp.maximum(hcat * dis + b_ref[...], 0.0)
    lg = jnp.dot(h, wfc_ref[...], preferred_element_type=jnp.float32) + bfc_ref[...]
    m = jnp.max(lg, axis=1, keepdims=True)
    lse = jnp.log(jnp.sum(jnp.exp(lg - m), axis=1, keepdims=True)) + m
    out_ref[...] = lg - lse


_BM = 1024


def _tc1(x_p, W1, degp):
    return pl.pallas_call(
        _tc1_body,
        grid=(NP // _BM, NQ),
        in_specs=[
            pl.BlockSpec((_BM, D_IN), lambda i, j: (i, 0)),
            pl.BlockSpec((D_IN, 128), lambda i, j: (0, j)),
            pl.BlockSpec((NC, _BM, 16), lambda i, j: (0, i, 0)),
        ],
        out_specs=pl.BlockSpec((1, _BM, 128), lambda i, j: (j, i, 0)),
        out_shape=jax.ShapeDtypeStruct((NQ, NP, 128), jnp.float32),
    )(x_p, W1, degp)


def _tc2(s1, degp, W2, b1):
    return pl.pallas_call(
        _tc2_body,
        grid=(NP // _BM,),
        in_specs=[
            pl.BlockSpec((NQ, _BM, 128), lambda i: (0, i, 0)),
            pl.BlockSpec((NC, _BM, 16), lambda i: (0, i, 0)),
            pl.BlockSpec((D_HID, D_HID), lambda i: (0, 0)),
            pl.BlockSpec((1, D_HID), lambda i: (0, 0)),
        ],
        out_specs=pl.BlockSpec((NQ, _BM, 128), lambda i: (0, i, 0)),
        out_shape=jax.ShapeDtypeStruct((NQ, NP, 128), jnp.float32),
    )(s1, degp, W2, b1)


def _tc3(s2, degp, b2, Wfc, bfc):
    return pl.pallas_call(
        _tc3_body,
        grid=(NP // _BM,),
        in_specs=[
            pl.BlockSpec((NQ, _BM, 128), lambda i: (0, i, 0)),
            pl.BlockSpec((NC, _BM, 16), lambda i: (0, i, 0)),
            pl.BlockSpec((1, D_HID), lambda i: (0, 0)),
            pl.BlockSpec((D_HID, 64), lambda i: (0, 0)),
            pl.BlockSpec((1, 64), lambda i: (0, 0)),
        ],
        out_specs=pl.BlockSpec((_BM, 64), lambda i: (i, 0)),
        out_shape=jax.ShapeDtypeStruct((NP, 64), jnp.float32),
    )(s2, degp, b2, Wfc, bfc)


def kernel(x, edge_index, W1, b1, W2, b2, Wfc, bfc):
    src = edge_index[0].astype(jnp.int32)
    dst = edge_index[1].astype(jnp.int32)
    pad = EP - E
    src_p = jnp.concatenate([src, jnp.zeros((pad,), jnp.int32)])
    dst_p = jnp.concatenate([dst, jnp.full((pad,), N, jnp.int32)])
    src_l = src_p.reshape(NS, LCH, C)
    dst_l = dst_p.reshape(NS, LCH, C)
    dst_d = dst_p.reshape(NC, NS, DCH, C)
    ones16 = jnp.ones((C, 16), jnp.float32)
    zeros16 = jnp.zeros((RT, 16), jnp.float32)
    x_p = jnp.pad(x, ((0, NP - N), (0, 0)))

    degp = _deg_counts(dst_d, ones16, zeros16)
    g1 = _tc1(x_p, W1, degp)
    s1 = _gcn_aggregate(g1.reshape(NQ * NP, 128), src_l, dst_l)
    g2 = _tc2(s1, degp, W2, b1.reshape(1, -1))
    s2 = _gcn_aggregate(g2.reshape(NQ * NP, 128), src_l, dst_l)
    out = _tc3(s2, degp, b2.reshape(1, -1), Wfc, bfc.reshape(1, -1))
    return out[:N]

# --- scband reference (transcript-rebuilt; emitter-appended) ---
"""Pipeline reference for scband-gcnactivity-classifier-37709812859317 (READ-ONLY COPY).

The authoritative reference and input builder live on the scoring server;
editing this copy changes nothing except your own understanding.
"""

import jax, jax.numpy as jnp
import numpy as np

NUM_NODES = 10000
NUM_EDGES = 160000
D_IN = 256
D_HID = 512
N_CLASSES = 64


def gcn_conv(x, edge_index, W, b, num_nodes):
    # PyG-style GCNConv: x' = D^{-1/2} (A + I) D^{-1/2} (X W) + b
    src = edge_index[0]
    dst = edge_index[1]
    loop = jnp.arange(num_nodes, dtype=edge_index.dtype)
    src = jnp.concatenate([src, loop], axis=0)
    dst = jnp.concatenate([dst, loop], axis=0)
    h = x @ W
    deg = jnp.zeros((num_nodes,), dtype=h.dtype).at[dst].add(1.0)
    deg_inv_sqrt = jnp.where(deg > 0, deg ** -0.5, 0.0)
    norm = deg_inv_sqrt[src] * deg_inv_sqrt[dst]
    msg = h[src] * norm[:, None]
    out = jnp.zeros((num_nodes, h.shape[1]), dtype=h.dtype).at[dst].add(msg)
    return out + b


def setup_inputs(seed: int = 0) -> dict:
    key = jax.random.key(seed)
    k_x, k_e, k1, k2, k3 = jax.random.split(key, 5)
    x = jax.random.normal(k_x, (NUM_NODES, D_IN), dtype=jnp.float32)
    edge_index = jax.random.randint(k_e, (2, NUM_EDGES), 0, NUM_NODES, dtype=jnp.int64)
    s1 = (1.0 / D_IN) ** 0.5
    s2 = (1.0 / D_HID) ** 0.5
    W1 = jax.random.uniform(k1, (D_IN, D_HID), jnp.float32, -s1, s1)
    b1 = jnp.zeros((D_HID,), jnp.float32)
    W2 = jax.random.uniform(k2, (D_HID, D_HID), jnp.float32, -s2, s2)
    b2 = jnp.zeros((D_HID,), jnp.float32)
    Wfc = jax.random.uniform(k3, (D_HID, N_CLASSES), jnp.float32, -s2, s2)
    bfc = jnp.zeros((N_CLASSES,), jnp.float32)
    return {"x": x, "edge_index": edge_index, "W1": W1, "b1": b1, "W2": W2, "b2": b2, "Wfc": Wfc, "bfc": bfc}


def reference(x, edge_index, W1, b1, W2, b2, Wfc, bfc):
    num_nodes = x.shape[0]
    h = gcn_conv(x, edge_index, W1, b1, num_nodes)
    h = jax.nn.relu(h)
    # dropout is identity in eval mode (training=False)
    h = gcn_conv(h, edge_index, W2, b2, num_nodes)
    h = jax.nn.relu(h)
    logits = h @ Wfc + bfc
    return jax.nn.log_softmax(logits, axis=1)

if __name__ == "__main__":
    import jax
    _d = setup_inputs()
    print(jax.jit(kernel)(*tuple(_d.values())))

</pallas_src>

<mosaic_0001>
#map = affine_map<(d0, d1) -> (0, 0)>
#map1 = affine_map<(d0, d1) -> (0, 0, 0)>
module attributes {stable_mosaic.version = 14 : i64} {
  func.func @_gcn_aggregate(%arg0: i32, %arg1: i32, %arg2: memref<40960x128xf32, #tpu.memory_space<hbm>>, %arg3: memref<16x80x128xi32, #tpu.memory_space<hbm>>, %arg4: memref<16x80x128xi32, #tpu.memory_space<hbm>>, %arg5: memref<4x10240x128xf32, #tpu.memory_space<hbm>>, %arg6: memref<80x128xi32, #tpu.memory_space<vmem>>, %arg7: memref<80x128xi32, #tpu.memory_space<vmem>>, %arg8: memref<128xi32, #tpu.memory_space<vmem>>, %arg9: memref<128x128xf32, #tpu.memory_space<vmem>>, %arg10: memref<10240x128xf32, #tpu.memory_space<vmem_shared>>, %arg11: memref<!tpu.dma_semaphore, #tpu.memory_space<semaphore_mem>>) attributes {dimension_semantics = [#tpu.dimension_semantics<core_parallel>, #tpu.dimension_semantics<subcore_parallel>], iteration_bounds = array<i64: 2, 16>, scalar_prefetch = 0 : i64, scratch_operands = 6 : i64, tpu.core_type = #tpu.core_type<sc_vector_subcore>, window_params = [{transform_indices = #map}, {transform_indices = #map1}, {transform_indices = #map1}, {transform_indices = #map1}]} {
    "tpu.region"() ({
      %run_scoped3A = tpu.sem_alloc : memref<!tpu.dma_semaphore, #tpu.memory_space<semaphore_mem>>
      %dma_start3A = arith.constant 0 : i32
      %dma_start3A_42 = arith.constant 0 : i32
      %dma_start3A_43 = tpu.memref_slice %arg3[%arg1, %dma_start3A, %dma_start3A_42] : memref<16x80x128xi32, #tpu.memory_space<hbm>> -> memref<1x80x128xi32, #tpu.memory_space<hbm>>
      %dma_start3A_44 = tpu.memref_squeeze %dma_start3A_43 : memref<1x80x128xi32, #tpu.memory_space<hbm>> -> memref<80x128xi32, #tpu.memory_space<hbm>>
      %dma_start3A_45 = arith.constant 0 : i32
      %dma_start3A_46 = arith.constant 0 : i32
      %dma_start3A_47 = tpu.memref_slice %arg3[%arg1, %dma_start3A_45, %dma_start3A_46] : memref<16x80x128xi32, #tpu.memory_space<hbm>> -> memref<1x80x128xi32, #tpu.memory_space<hbm>>
      %dma_start3A_48 = tpu.memref_squeeze %dma_start3A_47 : memref<1x80x128xi32, #tpu.memory_space<hbm>> -> memref<80x128xi32, #tpu.memory_space<hbm>>
      tpu.enqueue_dma source(%dma_start3A_48 : memref<80x128xi32, #tpu.memory_space<hbm>>) target(%arg6 : memref<80x128xi32, #tpu.memory_space<vmem>>) target_semaphore(%run_scoped3A : memref<!tpu.dma_semaphore, #tpu.memory_space<semaphore_mem>>)
      %dma_wait3A = arith.constant 0 : i32
      %dma_wait3A_49 = arith.constant 0 : i32
      %dma_wait3A_50 = tpu.memref_slice %arg3[%arg1, %dma_wait3A, %dma_wait3A_49] : memref<16x80x128xi32, #tpu.memory_space<hbm>> -> memref<1x80x128xi32, #tpu.memory_space<hbm>>
      %dma_wait3A_51 = tpu.memref_squeeze %dma_wait3A_50 : memref<1x80x128xi32, #tpu.memory_space<hbm>> -> memref<80x128xi32, #tpu.memory_space<hbm>>
      %dma_wait3A_52 = arith.constant 0 : i32
      %dma_wait3A_53 = arith.constant 0 : i32
      %dma_wait3A_54 = tpu.memref_slice %arg3[%arg1, %dma_wait3A_52, %dma_wait3A_53] : memref<16x80x128xi32, #tpu.memory_space<hbm>> -> memref<1x80x128xi32, #tpu.memory_space<hbm>>
      %dma_wait3A_55 = tpu.memref_squeeze %dma_wait3A_54 : memref<1x80x128xi32, #tpu.memory_space<hbm>> -> memref<80x128xi32, #tpu.memory_space<hbm>>
      tpu.wait_dma2 semaphore(%run_scoped3A : memref<!tpu.dma_semaphore, #tpu.memory_space<semaphore_mem>>) src(%dma_wait3A_55 : memref<80x128xi32, #tpu.memory_space<hbm>>) dst(%arg6 : memref<80x128xi32, #tpu.memory_space<vmem>>)
      tpu.yield
    }) : () -> ()
    "tpu.region"() ({
      %run_scoped3A = tpu.sem_alloc : memref<!tpu.dma_semaphore, #tpu.memory_space<semaphore_mem>>
      %dma_start3A = arith.constant 0 : i32
      %dma_start3A_42 = arith.constant 0 : i32
      %dma_start3A_43 = tpu.memref_slice %arg4[%arg1, %dma_start3A, %dma_start3A_42] : memref<16x80x128xi32, #tpu.memory_space<hbm>> -> memref<1x80x128xi32, #tpu.memory_space<hbm>>
      %dma_start3A_44 = tpu.memref_squeeze %dma_start3A_43 : memref<1x80x128xi32, #tpu.memory_space<hbm>> -> memref<80x128xi32, #tpu.memory_space<hbm>>
      %dma_start3A_45 = arith.constant 0 : i32
      %dma_start3A_46 = arith.constant 0 : i32
      %dma_start3A_47 = tpu.memref_slice %arg4[%arg1, %dma_start3A_45, %dma_start3A_46] : memref<16x80x128xi32, #tpu.memory_space<hbm>> -> memref<1x80x128xi32, #tpu.memory_space<hbm>>
      %dma_start3A_48 = tpu.memref_squeeze %dma_start3A_47 : memref<1x80x128xi32, #tpu.memory_space<hbm>> -> memref<80x128xi32, #tpu.memory_space<hbm>>
      tpu.enqueue_dma source(%dma_start3A_48 : memref<80x128xi32, #tpu.memory_space<hbm>>) target(%arg7 : memref<80x128xi32, #tpu.memory_space<vmem>>) target_semaphore(%run_scoped3A : memref<!tpu.dma_semaphore, #tpu.memory_space<semaphore_mem>>)
      %dma_wait3A = arith.constant 0 : i32
      %dma_wait3A_49 = arith.constant 0 : i32
      %dma_wait3A_50 = tpu.memref_slice %arg4[%arg1, %dma_wait3A, %dma_wait3A_49] : memref<16x80x128xi32, #tpu.memory_space<hbm>> -> memref<1x80x128xi32, #tpu.memory_space<hbm>>
      %dma_wait3A_51 = tpu.memref_squeeze %dma_wait3A_50 : memref<1x80x128xi32, #tpu.memory_space<hbm>> -> memref<80x128xi32, #tpu.memory_space<hbm>>
      %dma_wait3A_52 = arith.constant 0 : i32
      %dma_wait3A_53 = arith.constant 0 : i32
      %dma_wait3A_54 = tpu.memref_slice %arg4[%arg1, %dma_wait3A_52, %dma_wait3A_53] : memref<16x80x128xi32, #tpu.memory_space<hbm>> -> memref<1x80x128xi32, #tpu.memory_space<hbm>>
      %dma_wait3A_55 = tpu.memref_squeeze %dma_wait3A_54 : memref<1x80x128xi32, #tpu.memory_space<hbm>> -> memref<80x128xi32, #tpu.memory_space<hbm>>
      tpu.wait_dma2 semaphore(%run_scoped3A : memref<!tpu.dma_semaphore, #tpu.memory_space<semaphore_mem>>) src(%dma_wait3A_55 : memref<80x128xi32, #tpu.memory_space<hbm>>) dst(%arg7 : memref<80x128xi32, #tpu.memory_space<vmem>>)
      tpu.yield
    }) : () -> ()
    %mul3A = arith.constant 2 : i32
    %mul3A_0 = arith.muli %arg0, %mul3A : i32
    %add3A = arith.constant 0 : i32
    %add3A_1 = arith.addi %mul3A_0, %add3A : i32
    %mul3A_2 = arith.constant 10240 : i32
    %mul3A_3 = arith.muli %add3A_1, %mul3A_2 : i32
    %mul3A_4 = arith.constant 640 : i32
    %mul3A_5 = arith.muli %arg1, %mul3A_4 : i32
    %add3A_6 = arith.addi %mul3A_3, %mul3A_5 : i32
    %mul3A_7 = arith.constant 640 : i32
    %mul3A_8 = arith.muli %arg1, %mul3A_7 : i32
    "tpu.region"() ({
      %run_scoped3A = tpu.sem_alloc : memref<!tpu.dma_semaphore, #tpu.memory_space<semaphore_mem>>
      %dma_start3A = arith.constant 0 : i32
      %dma_start3A_42 = tpu.memref_slice %arg10[%mul3A_8, %dma_start3A] : memref<10240x128xf32, #tpu.memory_space<vmem_shared>> -> memref<640x128xf32, #tpu.memory_space<vmem_shared>>
      %dma_start3A_43 = arith.constant 0 : i32
      %dma_start3A_44 = tpu.memref_slice %arg2[%add3A_6, %dma_start3A_43] : memref<40960x128xf32, #tpu.memory_space<hbm>> -> memref<640x128xf32, #tpu.memory_space<hbm>>
      tpu.enqueue_dma source(%dma_start3A_44 : memref<640x128xf32, #tpu.memory_space<hbm>>) target(%dma_start3A_42 : memref<640x128xf32, #tpu.memory_space<vmem_shared>>) target_semaphore(%run_scoped3A : memref<!tpu.dma_semaphore, #tpu.memory_space<semaphore_mem>>)
      %dma_wait3A = arith.constant 0 : i32
      %dma_wait3A_45 = tpu.memref_slice %arg10[%mul3A_8, %dma_wait3A] : memref<10240x128xf32, #tpu.memory_space<vmem_shared>> -> memref<640x128xf32, #tpu.memory_space<vmem_shared>>
      %dma_wait3A_46 = arith.constant 0 : i32
      %dma_wait3A_47 = tpu.memref_slice %arg2[%add3A_6, %dma_wait3A_46] : memref<40960x128xf32, #tpu.memory_space<hbm>> -> memref<640x128xf32, #tpu.memory_space<hbm>>
      tpu.wait_dma2 semaphore(%run_scoped3A : memref<!tpu.dma_semaphore, #tpu.memory_space<semaphore_mem>>) src(%dma_wait3A_47 : memref<640x128xf32, #tpu.memory_space<hbm>>) dst(%dma_wait3A_45 : memref<640x128xf32, #tpu.memory_space<vmem_shared>>)
      tpu.yield
    }) : () -> ()
    %barrier3A = arith.constant 0 : index
    tpu.barrier barrier_id(%barrier3A)
    %scan3A = arith.constant 0 : i32
    %scan3A_9 = arith.constant 0 : i32
    %scan3A_10 = arith.constant 80 : i32
    %scan3A_11 = arith.addi %scan3A_9, %scan3A_10 : i32
    %scan3A_12 = arith.constant 1 : i32
    scf.for %scan3A_42 = %scan3A_9 to %scan3A_11 step %scan3A_12  : i32 {
      %get3A = arith.index_cast %scan3A_42 : i32 to index
      %get3A_43 = arith.constant 0 : index
      %get3A_44 = tpu.vector_load %arg6[%get3A, %get3A_43] {strides = array<i32>} : memref<80x128xi32, #tpu.memory_space<vmem>>, vector<1x16xi32>,
      %get3A_45 = vector.shape_cast %get3A_44 : vector<1x16xi32> to vector<16xi32>
      %add3A_46 = vector.broadcast %mul3A_3 : i32 to vector<16xi32>
      %add3A_47 = arith.addi %get3A_45, %add3A_46 : vector<16xi32>
      %swap3A = arith.constant 0 : index
      %swap3A_48 = tpu.vector_load %arg8[%swap3A] {strides = array<i32>} : memref<128xi32, #tpu.memory_space<vmem>>, vector<16xi32>,
      %swap3A_49 = vector.shape_cast %swap3A_48 : vector<16xi32> to vector<16xi32>
      %swap3A_50 = vector.shape_cast %add3A_47 : vector<16xi32> to vector<16xi32>
      tpu.vector_store %arg8[%swap3A], %swap3A_50 {strides = array<i32>} : memref<128xi32, #tpu.memory_space<vmem>>, vector<16xi32>,
      %get3A_51 = arith.index_cast %scan3A_42 : i32 to index
      %get3A_52 = arith.constant 16 : index
      %get3A_53 = tpu.vector_load %arg6[%get3A_51, %get3A_52] {strides = array<i32>} : memref<80x128xi32, #tpu.memory_space<vmem>>, vector<1x16xi32>,
      %get3A_54 = vector.shape_cast %get3A_53 : vector<1x16xi32> to vector<16xi32>
      %add3A_55 = vector.broadcast %mul3A_3 : i32 to vector<16xi32>
      %add3A_56 = arith.addi %get3A_54, %add3A_55 : vector<16xi32>
      %swap3A_57 = arith.constant 16 : index
      %swap3A_58 = tpu.vector_load %arg8[%swap3A_57] {strides = array<i32>} : memref<128xi32, #tpu.memory_space<vmem>>, vector<16xi32>,
      %swap3A_59 = vector.shape_cast %swap3A_58 : vector<16xi32> to vector<16xi32>
      %swap3A_60 = vector.shape_cast %add3A_56 : vector<16xi32> to vector<16xi32>
      tpu.vector_store %arg8[%swap3A_57], %swap3A_60 {strides = array<i32>} : memref<128xi32, #tpu.memory_space<vmem>>, vector<16xi32>,
      %get3A_61 = arith.index_cast %scan3A_42 : i32 to index
      %get3A_62 = arith.constant 32 : index
      %get3A_63 = tpu.vector_load %arg6[%get3A_61, %get3A_62] {strides = array<i32>} : memref<80x128xi32, #tpu.memory_space<vmem>>, vector<1x16xi32>,
      %get3A_64 = vector.shape_cast %get3A_63 : vector<1x16xi32> to vector<16xi32>
      %add3A_65 = vector.broadcast %mul3A_3 : i32 to vector<16xi32>
      %add3A_66 = arith.addi %get3A_64, %add3A_65 : vector<16xi32>
      %swap3A_67 = arith.constant 32 : index
      %swap3A_68 = tpu.vector_load %arg8[%swap3A_67] {strides = array<i32>} : memref<128xi32, #tpu.memory_space<vmem>>, vector<16xi32>,
      %swap3A_69 = vector.shape_cast %swap3A_68 : vector<16xi32> to vector<16xi32>
      %swap3A_70 = vector.shape_cast %add3A_66 : vector<16xi32> to vector<16xi32>
      tpu.vector_store %arg8[%swap3A_67], %swap3A_70 {strides = array<i32>} : memref<128xi32, #tpu.memory_space<vmem>>, vector<16xi32>,
      %get3A_71 = arith.index_cast %scan3A_42 : i32 to index
      %get3A_72 = arith.constant 48 : index
      %get3A_73 = tpu.vector_load %arg6[%get3A_71, %get3A_72] {strides = array<i32>} : memref<80x128xi32, #tpu.memory_space<vmem>>, vector<1x16xi32>,
      %get3A_74 = vector.shape_cast %get3A_73 : vector<1x16xi32> to vector<16xi32>
      %add3A_75 = vector.broadcast %mul3A_3 : i32 to vector<16xi32>
      %add3A_76 = arith.addi %get3A_74, %add3A_75 : vector<16xi32>
      %swap3A_77 = arith.constant 48 : index
      %swap3A_78 = tpu.vector_load %arg8[%swap3A_77] {strides = array<i32>} : memref<128xi32, #tpu.memory_space<vmem>>, vector<16xi32>,
      %swap3A_79 = vector.shape_cast %swap3A_78 : vector<16xi32> to vector<16xi32>
      %swap3A_80 = vector.shape_cast %add3A_76 : vector<16xi32> to vector<16xi32>
      tpu.vector_store %arg8[%swap3A_77], %swap3A_80 {strides = array<i32>} : memref<128xi32, #tpu.memory_space<vmem>>, vector<16xi32>,
      %get3A_81 = arith.index_cast %scan3A_42 : i32 to index
      %get3A_82 = arith.constant 64 : index
      %get3A_83 = tpu.vector_load %arg6[%get3A_81, %get3A_82] {strides = array<i32>} : memref<80x128xi32, #tpu.memory_space<vmem>>, vector<1x16xi32>,
      %get3A_84 = vector.shape_cast %get3A_83 : vector<1x16xi32> to vector<16xi32>
      %add3A_85 = vector.broadcast %mul3A_3 : i32 to vector<16xi32>
      %add3A_86 = arith.addi %get3A_84, %add3A_85 : vector<16xi32>
      %swap3A_87 = arith.constant 64 : index
      %swap3A_88 = tpu.vector_load %arg8[%swap3A_87] {strides = array<i32>} : memref<128xi32, #tpu.memory_space<vmem>>, vector<16xi32>,
      %swap3A_89 = vector.shape_cast %swap3A_88 : vector<16xi32> to vector<16xi32>
      %swap3A_90 = vector.shape_cast %add3A_86 : vector<16xi32> to vector<16xi32>
      tpu.vector_store %arg8[%swap3A_87], %swap3A_90 {strides = array<i32>} : memref<128xi32, #tpu.memory_space<vmem>>, vector<16xi32>,
      %get3A_91 = arith.index_cast %scan3A_42 : i32 to index
      %get3A_92 = arith.constant 80 : index
      %get3A_93 = tpu.vector_load %arg6[%get3A_91, %get3A_92] {strides = array<i32>} : memref<80x128xi32, #tpu.memory_space<vmem>>, vector<1x16xi32>,
      %get3A_94 = vector.shape_cast %get3A_93 : vector<1x16xi32> to vector<16xi32>
      %add3A_95 = vector.broadcast %mul3A_3 : i32 to vector<16xi32>
      %add3A_96 = arith.addi %get3A_94, %add3A_95 : vector<16xi32>
      %swap3A_97 = arith.constant 80 : index
      %swap3A_98 = tpu.vector_load %arg8[%swap3A_97] {strides = array<i32>} : memref<128xi32, #tpu.memory_space<vmem>>, vector<16xi32>,
      %swap3A_99 = vector.shape_cast %swap3A_98 : vector<16xi32> to vector<16xi32>
      %swap3A_100 = vector.shape_cast %add3A_96 : vector<16xi32> to vector<16xi32>
      tpu.vector_store %arg8[%swap3A_97], %swap3A_100 {strides = array<i32>} : memref<128xi32, #tpu.memory_space<vmem>>, vector<16xi32>,
      %get3A_101 = arith.index_cast %scan3A_42 : i32 to index
      %get3A_102 = arith.constant 96 : index
      %get3A_103 = tpu.vector_load %arg6[%get3A_101, %get3A_102] {strides = array<i32>} : memref<80x128xi32, #tpu.memory_space<vmem>>, vector<1x16xi32>,
      %get3A_104 = vector.shape_cast %get3A_103 : vector<1x16xi32> to vector<16xi32>
      %add3A_105 = vector.broadcast %mul3A_3 : i32 to vector<16xi32>
      %add3A_106 = arith.addi %get3A_104, %add3A_105 : vector<16xi32>
      %swap3A_107 = arith.constant 96 : index
      %swap3A_108 = tpu.vector_load %arg8[%swap3A_107] {strides = array<i32>} : memref<128xi32, #tpu.memory_space<vmem>>, vector<16xi32>,
      %swap3A_109 = vector.shape_cast %swap3A_108 : vector<16xi32> to vector<16xi32>
      %swap3A_110 = vector.shape_cast %add3A_106 : vector<16xi32> to vector<16xi32>
      tpu.vector_store %arg8[%swap3A_107], %swap3A_110 {strides = array<i32>} : memref<128xi32, #tpu.memory_space<vmem>>, vector<16xi32>,
      %get3A_111 = arith.index_cast %scan3A_42 : i32 to index
      %get3A_112 = arith.constant 112 : index
      %get3A_113 = tpu.vector_load %arg6[%get3A_111, %get3A_112] {strides = array<i32>} : memref<80x128xi32, #tpu.memory_space<vmem>>, vector<1x16xi32>,
      %get3A_114 = vector.shape_cast %get3A_113 : vector<1x16xi32> to vector<16xi32>
      %add3A_115 = vector.broadcast %mul3A_3 : i32 to vector<16xi32>
      %add3A_116 = arith.addi %get3A_114, %add3A_115 : vector<16xi32>
      %swap3A_117 = arith.constant 112 : index
      %swap3A_118 = tpu.vector_load %arg8[%swap3A_117] {strides = array<i32>} : memref<128xi32, #tpu.memory_space<vmem>>, vector<16xi32>,
      %swap3A_119 = vector.shape_cast %swap3A_118 : vector<16xi32> to vector<16xi32>
      %swap3A_120 = vector.shape_cast %add3A_116 : vector<16xi32> to vector<16xi32>
      tpu.vector_store %arg8[%swap3A_117], %swap3A_120 {strides = array<i32>} : memref<128xi32, #tpu.memory_space<vmem>>, vector<16xi32>,
      %dma_start3A = arith.constant 0 : i32
      %dma_start3A_121 = arith.constant 0 : i32
      %dma_start3A_122 = tpu.memref_slice %arg2[%dma_start3A, %dma_start3A_121] : memref<40960x128xf32, #tpu.memory_space<hbm>> -> memref<40960x128xf32, #tpu.memory_space<hbm>>
      tpu.enqueue_indirect_dma source(%dma_start3A_122 : memref<40960x128xf32, #tpu.memory_space<hbm>>) target(%arg9 : memref<128x128xf32, #tpu.memory_space<vmem>>) offsets(%arg8 : memref<128xi32, #tpu.memory_space<vmem>>) semaphore(%arg11 : memref<!tpu.dma_semaphore, #tpu.memory_space<semaphore_mem>>)
      %dma_wait3A = arith.constant 0 : i32
      %dma_wait3A_123 = arith.constant 0 : i32
      %dma_wait3A_124 = tpu.memref_slice %arg2[%dma_wait3A, %dma_wait3A_123] : memref<40960x128xf32, #tpu.memory_space<hbm>> -> memref<40960x128xf32, #tpu.memory_space<hbm>>
      tpu.wait_indirect_dma semaphore(%arg11 : memref<!tpu.dma_semaphore, #tpu.memory_space<semaphore_mem>>) src(%dma_wait3A_124 : memref<40960x128xf32, #tpu.memory_space<hbm>>) dst(%arg9 : memref<128x128xf32, #tpu.memory_space<vmem>>)
      "tpu.region"() ({
        %run_scoped3A = tpu.sem_alloc : memref<!tpu.dma_semaphore, #tpu.memory_space<semaphore_mem>>
        %dma_start3A_125 = arith.constant 0 : i32
        %dma_start3A_126 = tpu.memref_slice %arg7[%scan3A_42, %dma_start3A_125] : memref<80x128xi32, #tpu.memory_space<vmem>> -> memref<1x128xi32, #tpu.memory_space<vmem>>
        %dma_start3A_127 = tpu.memref_squeeze %dma_start3A_126 : memref<1x128xi32, #tpu.memory_space<vmem>> -> memref<128xi32, #tpu.memory_space<vmem>>
        %dma_start3A_128 = arith.constant 0 : i32
        %dma_start3A_129 = arith.constant 0 : i32
        %dma_start3A_130 = tpu.memref_slice %arg10[%dma_start3A_128, %dma_start3A_129] : memref<10240x128xf32, #tpu.memory_space<vmem_shared>> -> memref<10240x128xf32, #tpu.memory_space<vmem_shared>>
        tpu.enqueue_indirect_dma source(%arg9 : memref<128x128xf32, #tpu.memory_space<vmem>>) target(%dma_start3A_130 : memref<10240x128xf32, #tpu.memory_space<vmem_shared>>) offsets(%dma_start3A_127 : memref<128xi32, #tpu.memory_space<vmem>>) semaphore(%run_scoped3A : memref<!tpu.dma_semaphore, #tpu.memory_space<semaphore_mem>>) {add = true}
        %dma_wait3A_131 = arith.constant 0 : i32
        %dma_wait3A_132 = tpu.memref_slice %arg7[%scan3A_42, %dma_wait3A_131] : memref<80x128xi32, #tpu.memory_space<vmem>> -> memref<1x128xi32, #tpu.memory_space<vmem>>
        %dma_wait3A_133 = tpu.memref_squeeze %dma_wait3A_132 : memref<1x128xi32, #tpu.memory_space<vmem>> -> memref<128xi32, #tpu.memory_space<vmem>>
        %dma_wait3A_134 = arith.constant 0 : i32
        %dma_wait3A_135 = arith.constant 0 : i32
        %dma_wait3A_136 = tpu.memref_slice %arg10[%dma_wait3A_134, %dma_wait3A_135] : memref<10240x128xf32, #tpu.memory_space<vmem_shared>> -> memref<10240x128xf32, #tpu.memory_space<vmem_shared>>
        tpu.wait_indirect_dma semaphore(%run_scoped3A : memref<!tpu.dma_semaphore, #tpu.memory_space<semaphore_mem>>) src(%arg9 : memref<128x128xf32, #tpu.memory_space<vmem>>) dst(%dma_wait3A_136 : memref<10240x128xf32, #tpu.memory_space<vmem_shared>>)
        tpu.yield
      }) : () -> ()
    }
    %scan3A_13 = arith.constant 80 : i32
    %barrier3A_14 = arith.constant 0 : index
    tpu.barrier barrier_id(%barrier3A_14)
    %mul3A_15 = arith.constant 640 : i32
    %mul3A_16 = arith.muli %arg1, %mul3A_15 : i32
    %mul3A_17 = arith.constant 640 : i32
    %mul3A_18 = arith.muli %arg1, %mul3A_17 : i32
    "tpu.region"() ({
      %run_scoped3A = tpu.sem_alloc : memref<!tpu.dma_semaphore, #tpu.memory_space<semaphore_mem>>
      %dma_start3A = arith.constant 0 : i32
      %dma_start3A_42 = tpu.memref_slice %arg5[%add3A_1, %mul3A_18, %dma_start3A] : memref<4x10240x128xf32, #tpu.memory_space<hbm>> -> memref<1x640x128xf32, #tpu.memory_space<hbm>>
      %dma_start3A_43 = tpu.memref_squeeze %dma_start3A_42 : memref<1x640x128xf32, #tpu.memory_space<hbm>> -> memref<640x128xf32, #tpu.memory_space<hbm>>
      %dma_start3A_44 = arith.constant 0 : i32
      %dma_start3A_45 = tpu.memref_slice %arg10[%mul3A_16, %dma_start3A_44] : memref<10240x128xf32, #tpu.memory_space<vmem_shared>> -> memref<640x128xf32, #tpu.memory_space<vmem_shared>>
      tpu.enqueue_dma source(%dma_start3A_45 : memref<640x128xf32, #tpu.memory_space<vmem_shared>>) target(%dma_start3A_43 : memref<640x128xf32, #tpu.memory_space<hbm>>) target_semaphore(%run_scoped3A : memref<!tpu.dma_semaphore, #tpu.memory_space<semaphore_mem>>)
      %dma_wait3A = arith.constant 0 : i32
      %dma_wait3A_46 = tpu.memref_slice %arg5[%add3A_1, %mul3A_18, %dma_wait3A] : memref<4x10240x128xf32, #tpu.memory_space<hbm>> -> memref<1x640x128xf32, #tpu.memory_space<hbm>>
      %dma_wait3A_47 = tpu.memref_squeeze %dma_wait3A_46 : memref<1x640x128xf32, #tpu.memory_space<hbm>> -> memref<640x128xf32, #tpu.memory_space<hbm>>
      %dma_wait3A_48 = arith.constant 0 : i32
      %dma_wait3A_49 = tpu.memref_slice %arg10[%mul3A_16, %dma_wait3A_48] : memref<10240x128xf32, #tpu.memory_space<vmem_shared>> -> memref<640x128xf32, #tpu.memory_space<vmem_shared>>
      tpu.wait_dma2 semaphore(%run_scoped3A : memref<!tpu.dma_semaphore, #tpu.memory_space<semaphore_mem>>) src(%dma_wait3A_49 : memref<640x128xf32, #tpu.memory_space<vmem_shared>>) dst(%dma_wait3A_47 : memref<640x128xf32, #tpu.memory_space<hbm>>)
      tpu.yield
    }) : () -> ()
    %mul3A_19 = arith.constant 2 : i32
    %mul3A_20 = arith.muli %arg0, %mul3A_19 : i32
    %add3A_21 = arith.constant 1 : i32
    %add3A_22 = arith.addi %mul3A_20, %add3A_21 : i32
    %mul3A_23 = arith.constant 10240 : i32
    %mul3A_24 = arith.muli %add3A_22, %mul3A_23 : i32
    %mul3A_25 = arith.constant 640 : i32
    %mul3A_26 = arith.muli %arg1, %mul3A_25 : i32
    %add3A_27 = arith.addi %mul3A_24, %mul3A_26 : i32
    %mul3A_28 = arith.constant 640 : i32
    %mul3A_29 = arith.muli %arg1, %mul3A_28 : i32
    "tpu.region"() ({
      %run_scoped3A = tpu.sem_alloc : memref<!tpu.dma_semaphore, #tpu.memory_space<semaphore_mem>>
      %dma_start3A = arith.constant 0 : i32
      %dma_start3A_42 = tpu.memref_slice %arg10[%mul3A_29, %dma_start3A] : memref<10240x128xf32, #tpu.memory_space<vmem_shared>> -> memref<640x128xf32, #tpu.memory_space<vmem_shared>>
      %dma_start3A_43 = arith.constant 0 : i32
      %dma_start3A_44 = tpu.memref_slice %arg2[%add3A_27, %dma_start3A_43] : memref<40960x128xf32, #tpu.memory_space<hbm>> -> memref<640x128xf32, #tpu.memory_space<hbm>>
      tpu.enqueue_dma source(%dma_start3A_44 : memref<640x128xf32, #tpu.memory_space<hbm>>) target(%dma_start3A_42 : memref<640x128xf32, #tpu.memory_space<vmem_shared>>) target_semaphore(%run_scoped3A : memref<!tpu.dma_semaphore, #tpu.memory_space<semaphore_mem>>)
      %dma_wait3A = arith.constant 0 : i32
      %dma_wait3A_45 = tpu.memref_slice %arg10[%mul3A_29, %dma_wait3A] : memref<10240x128xf32, #tpu.memory_space<vmem_shared>> -> memref<640x128xf32, #tpu.memory_space<vmem_shared>>
      %dma_wait3A_46 = arith.constant 0 : i32
      %dma_wait3A_47 = tpu.memref_slice %arg2[%add3A_27, %dma_wait3A_46] : memref<40960x128xf32, #tpu.memory_space<hbm>> -> memref<640x128xf32, #tpu.memory_space<hbm>>
      tpu.wait_dma2 semaphore(%run_scoped3A : memref<!tpu.dma_semaphore, #tpu.memory_space<semaphore_mem>>) src(%dma_wait3A_47 : memref<640x128xf32, #tpu.memory_space<hbm>>) dst(%dma_wait3A_45 : memref<640x128xf32, #tpu.memory_space<vmem_shared>>)
      tpu.yield
    }) : () -> ()
    %barrier3A_30 = arith.constant 0 : index
    tpu.barrier barrier_id(%barrier3A_30)
    %scan3A_31 = arith.constant 0 : i32
    %scan3A_32 = arith.constant 0 : i32
    %scan3A_33 = arith.constant 80 : i32
    %scan3A_34 = arith.addi %scan3A_32, %scan3A_33 : i32
    %scan3A_35 = arith.constant 1 : i32
    scf.for %scan3A_42 = %scan3A_32 to %scan3A_34 step %scan3A_35  : i32 {
      %get3A = arith.index_cast %scan3A_42 : i32 to index
      %get3A_43 = arith.constant 0 : index
      %get3A_44 = tpu.vector_load %arg6[%get3A, %get3A_43] {strides = array<i32>} : memref<80x128xi32, #tpu.memory_space<vmem>>, vector<1x16xi32>,
      %get3A_45 = vector.shape_cast %get3A_44 : vector<1x16xi32> to vector<16xi32>
      %add3A_46 = vector.broadcast %mul3A_24 : i32 to vector<16xi32>
      %add3A_47 = arith.addi %get3A_45, %add3A_46 : vector<16xi32>
      %swap3A = arith.constant 0 : index
      %swap3A_48 = tpu.vector_load %arg8[%swap3A] {strides = array<i32>} : memref<128xi32, #tpu.memory_space<vmem>>, vector<16xi32>,
      %swap3A_49 = vector.shape_cast %swap3A_48 : vector<16xi32> to vector<16xi32>
      %swap3A_50 = vector.shape_cast %add3A_47 : vector<16xi32> to vector<16xi32>
      tpu.vector_store %arg8[%swap3A], %swap3A_50 {strides = array<i32>} : memref<128xi32, #tpu.memory_space<vmem>>, vector<16xi32>,
      %get3A_51 = arith.index_cast %scan3A_42 : i32 to index
      %get3A_52 = arith.constant 16 : index
      %get3A_53 = tpu.vector_load %arg6[%get3A_51, %get3A_52] {strides = array<i32>} : memref<80x128xi32, #tpu.memory_space<vmem>>, vector<1x16xi32>,
      %get3A_54 = vector.shape_cast %get3A_53 : vector<1x16xi32> to vector<16xi32>
      %add3A_55 = vector.broadcast %mul3A_24 : i32 to vector<16xi32>
      %add3A_56 = arith.addi %get3A_54, %add3A_55 : vector<16xi32>
      %swap3A_57 = arith.constant 16 : index
      %swap3A_58 = tpu.vector_load %arg8[%swap3A_57] {strides = array<i32>} : memref<128xi32, #tpu.memory_space<vmem>>, vector<16xi32>,
      %swap3A_59 = vector.shape_cast %swap3A_58 : vector<16xi32> to vector<16xi32>
      %swap3A_60 = vector.shape_cast %add3A_56 : vector<16xi32> to vector<16xi32>
      tpu.vector_store %arg8[%swap3A_57], %swap3A_60 {strides = array<i32>} : memref<128xi32, #tpu.memory_space<vmem>>, vector<16xi32>,
      %get3A_61 = arith.index_cast %scan3A_42 : i32 to index
      %get3A_62 = arith.constant 32 : index
      %get3A_63 = tpu.vector_load %arg6[%get3A_61, %get3A_62] {strides = array<i32>} : memref<80x128xi32, #tpu.memory_space<vmem>>, vector<1x16xi32>,
      %get3A_64 = vector.shape_cast %get3A_63 : vector<1x16xi32> to vector<16xi32>
      %add3A_65 = vector.broadcast %mul3A_24 : i32 to vector<16xi32>
      %add3A_66 = arith.addi %get3A_64, %add3A_65 : vector<16xi32>
      %swap3A_67 = arith.constant 32 : index
      %swap3A_68 = tpu.vector_load %arg8[%swap3A_67] {strides = array<i32>} : memref<128xi32, #tpu.memory_space<vmem>>, vector<16xi32>,
      %swap3A_69 = vector.shape_cast %swap3A_68 : vector<16xi32> to vector<16xi32>
      %swap3A_70 = vector.shape_cast %add3A_66 : vector<16xi32> to vector<16xi32>
      tpu.vector_store %arg8[%swap3A_67], %swap3A_70 {strides = array<i32>} : memref<128xi32, #tpu.memory_space<vmem>>, vector<16xi32>,
      %get3A_71 = arith.index_cast %scan3A_42 : i32 to index
      %get3A_72 = arith.constant 48 : index
      %get3A_73 = tpu.vector_load %arg6[%get3A_71, %get3A_72] {strides = array<i32>} : memref<80x128xi32, #tpu.memory_space<vmem>>, vector<1x16xi32>,
      %get3A_74 = vector.shape_cast %get3A_73 : vector<1x16xi32> to vector<16xi32>
      %add3A_75 = vector.broadcast %mul3A_24 : i32 to vector<16xi32>
      %add3A_76 = arith.addi %get3A_74, %add3A_75 : vector<16xi32>
      %swap3A_77 = arith.constant 48 : index
      %swap3A_78 = tpu.vector_load %arg8[%swap3A_77] {strides = array<i32>} : memref<128xi32, #tpu.memory_space<vmem>>, vector<16xi32>,
      %swap3A_79 = vector.shape_cast %swap3A_78 : vector<16xi32> to vector<16xi32>
      %swap3A_80 = vector.shape_cast %add3A_76 : vector<16xi32> to vector<16xi32>
      tpu.vector_store %arg8[%swap3A_77], %swap3A_80 {strides = array<i32>} : memref<128xi32, #tpu.memory_space<vmem>>, vector<16xi32>,
      %get3A_81 = arith.index_cast %scan3A_42 : i32 to index
      %get3A_82 = arith.constant 64 : index
      %get3A_83 = tpu.vector_load %arg6[%get3A_81, %get3A_82] {strides = array<i32>} : memref<80x128xi32, #tpu.memory_space<vmem>>, vector<1x16xi32>,
      %get3A_84 = vector.shape_cast %get3A_83 : vector<1x16xi32> to vector<16xi32>
      %add3A_85 = vector.broadcast %mul3A_24 : i32 to vector<16xi32>
      %add3A_86 = arith.addi %get3A_84, %add3A_85 : vector<16xi32>
      %swap3A_87 = arith.constant 64 : index
      %swap3A_88 = tpu.vector_load %arg8[%swap3A_87] {strides = array<i32>} : memref<128xi32, #tpu.memory_space<vmem>>, vector<16xi32>,
      %swap3A_89 = vector.shape_cast %swap3A_88 : vector<16xi32> to vector<16xi32>
      %swap3A_90 = vector.shape_cast %add3A_86 : vector<16xi32> to vector<16xi32>
      tpu.vector_store %arg8[%swap3A_87], %swap3A_90 {strides = array<i32>} : memref<128xi32, #tpu.memory_space<vmem>>, vector<16xi32>,
      %get3A_91 = arith.index_cast %scan3A_42 : i32 to index
      %get3A_92 = arith.constant 80 : index
      %get3A_93 = tpu.vector_load %arg6[%get3A_91, %get3A_92] {strides = array<i32>} : memref<80x128xi32, #tpu.memory_space<vmem>>, vector<1x16xi32>,
      %get3A_94 = vector.shape_cast %get3A_93 : vector<1x16xi32> to vector<16xi32>
      %add3A_95 = vector.broadcast %mul3A_24 : i32 to vector<16xi32>
      %add3A_96 = arith.addi %get3A_94, %add3A_95 : vector<16xi32>
      %swap3A_97 = arith.constant 80 : index
      %swap3A_98 = tpu.vector_load %arg8[%swap3A_97] {strides = array<i32>} : memref<128xi32, #tpu.memory_space<vmem>>, vector<16xi32>,
      %swap3A_99 = vector.shape_cast %swap3A_98 : vector<16xi32> to vector<16xi32>
      %swap3A_100 = vector.shape_cast %add3A_96 : vector<16xi32> to vector<16xi32>
      tpu.vector_store %arg8[%swap3A_97], %swap3A_100 {strides = array<i32>} : memref<128xi32, #tpu.memory_space<vmem>>, vector<16xi32>,
      %get3A_101 = arith.index_cast %scan3A_42 : i32 to index
      %get3A_102 = arith.constant 96 : index
      %get3A_103 = tpu.vector_load %arg6[%get3A_101, %get3A_102] {strides = array<i32>} : memref<80x128xi32, #tpu.memory_space<vmem>>, vector<1x16xi32>,
      %get3A_104 = vector.shape_cast %get3A_103 : vector<1x16xi32> to vector<16xi32>
      %add3A_105 = vector.broadcast %mul3A_24 : i32 to vector<16xi32>
      %add3A_106 = arith.addi %get3A_104, %add3A_105 : vector<16xi32>
      %swap3A_107 = arith.constant 96 : index
      %swap3A_108 = tpu.vector_load %arg8[%swap3A_107] {strides = array<i32>} : memref<128xi32, #tpu.memory_space<vmem>>, vector<16xi32>,
      %swap3A_109 = vector.shape_cast %swap3A_108 : vector<16xi32> to vector<16xi32>
      %swap3A_110 = vector.shape_cast %add3A_106 : vector<16xi32> to vector<16xi32>
      tpu.vector_store %arg8[%swap3A_107], %swap3A_110 {strides = array<i32>} : memref<128xi32, #tpu.memory_space<vmem>>, vector<16xi32>,
      %get3A_111 = arith.index_cast %scan3A_42 : i32 to index
      %get3A_112 = arith.constant 112 : index
      %get3A_113 = tpu.vector_load %arg6[%get3A_111, %get3A_112] {strides = array<i32>} : memref<80x128xi32, #tpu.memory_space<vmem>>, vector<1x16xi32>,
      %get3A_114 = vector.shape_cast %get3A_113 : vector<1x16xi32> to vector<16xi32>
      %add3A_115 = vector.broadcast %mul3A_24 : i32 to vector<16xi32>
      %add3A_116 = arith.addi %get3A_114, %add3A_115 : vector<16xi32>
      %swap3A_117 = arith.constant 112 : index
      %swap3A_118 = tpu.vector_load %arg8[%swap3A_117] {strides = array<i32>} : memref<128xi32, #tpu.memory_space<vmem>>, vector<16xi32>,
      %swap3A_119 = vector.shape_cast %swap3A_118 : vector<16xi32> to vector<16xi32>
      %swap3A_120 = vector.shape_cast %add3A_116 : vector<16xi32> to vector<16xi32>
      tpu.vector_store %arg8[%swap3A_117], %swap3A_120 {strides = array<i32>} : memref<128xi32, #tpu.memory_space<vmem>>, vector<16xi32>,
      %dma_start3A = arith.constant 0 : i32
      %dma_start3A_121 = arith.constant 0 : i32
      %dma_start3A_122 = tpu.memref_slice %arg2[%dma_start3A, %dma_start3A_121] : memref<40960x128xf32, #tpu.memory_space<hbm>> -> memref<40960x128xf32, #tpu.memory_space<hbm>>
      tpu.enqueue_indirect_dma source(%dma_start3A_122 : memref<40960x128xf32, #tpu.memory_space<hbm>>) target(%arg9 : memref<128x128xf32, #tpu.memory_space<vmem>>) offsets(%arg8 : memref<128xi32, #tpu.memory_space<vmem>>) semaphore(%arg11 : memref<!tpu.dma_semaphore, #tpu.memory_space<semaphore_mem>>)
      %dma_wait3A = arith.constant 0 : i32
      %dma_wait3A_123 = arith.constant 0 : i32
      %dma_wait3A_124 = tpu.memref_slice %arg2[%dma_wait3A, %dma_wait3A_123] : memref<40960x128xf32, #tpu.memory_space<hbm>> -> memref<40960x128xf32, #tpu.memory_space<hbm>>
      tpu.wait_indirect_dma semaphore(%arg11 : memref<!tpu.dma_semaphore, #tpu.memory_space<semaphore_mem>>) src(%dma_wait3A_124 : memref<40960x128xf32, #tpu.memory_space<hbm>>) dst(%arg9 : memref<128x128xf32, #tpu.memory_space<vmem>>)
      "tpu.region"() ({
        %run_scoped3A = tpu.sem_alloc : memref<!tpu.dma_semaphore, #tpu.memory_space<semaphore_mem>>
        %dma_start3A_125 = arith.constant 0 : i32
        %dma_start3A_126 = tpu.memref_slice %arg7[%scan3A_42, %dma_start3A_125] : memref<80x128xi32, #tpu.memory_space<vmem>> -> memref<1x128xi32, #tpu.memory_space<vmem>>
        %dma_start3A_127 = tpu.memref_squeeze %dma_start3A_126 : memref<1x128xi32, #tpu.memory_space<vmem>> -> memref<128xi32, #tpu.memory_space<vmem>>
        %dma_start3A_128 = arith.constant 0 : i32
        %dma_start3A_129 = arith.constant 0 : i32
        %dma_start3A_130 = tpu.memref_slice %arg10[%dma_start3A_128, %dma_start3A_129] : memref<10240x128xf32, #tpu.memory_space<vmem_shared>> -> memref<10240x128xf32, #tpu.memory_space<vmem_shared>>
        tpu.enqueue_indirect_dma source(%arg9 : memref<128x128xf32, #tpu.memory_space<vmem>>) target(%dma_start3A_130 : memref<10240x128xf32, #tpu.memory_space<vmem_shared>>) offsets(%dma_start3A_127 : memref<128xi32, #tpu.memory_space<vmem>>) semaphore(%run_scoped3A : memref<!tpu.dma_semaphore, #tpu.memory_space<semaphore_mem>>) {add = true}
        %dma_wait3A_131 = arith.constant 0 : i32
        %dma_wait3A_132 = tpu.memref_slice %arg7[%scan3A_42, %dma_wait3A_131] : memref<80x128xi32, #tpu.memory_space<vmem>> -> memref<1x128xi32, #tpu.memory_space<vmem>>
        %dma_wait3A_133 = tpu.memref_squeeze %dma_wait3A_132 : memref<1x128xi32, #tpu.memory_space<vmem>> -> memref<128xi32, #tpu.memory_space<vmem>>
        %dma_wait3A_134 = arith.constant 0 : i32
        %dma_wait3A_135 = arith.constant 0 : i32
        %dma_wait3A_136 = tpu.memref_slice %arg10[%dma_wait3A_134, %dma_wait3A_135] : memref<10240x128xf32, #tpu.memory_space<vmem_shared>> -> memref<10240x128xf32, #tpu.memory_space<vmem_shared>>
        tpu.wait_indirect_dma semaphore(%run_scoped3A : memref<!tpu.dma_semaphore, #tpu.memory_space<semaphore_mem>>) src(%arg9 : memref<128x128xf32, #tpu.memory_space<vmem>>) dst(%dma_wait3A_136 : memref<10240x128xf32, #tpu.memory_space<vmem_shared>>)
        tpu.yield
      }) : () -> ()
    }
    %scan3A_36 = arith.constant 80 : i32
    %barrier3A_37 = arith.constant 0 : index
    tpu.barrier barrier_id(%barrier3A_37)
    %mul3A_38 = arith.constant 640 : i32
    %mul3A_39 = arith.muli %arg1, %mul3A_38 : i32
    %mul3A_40 = arith.constant 640 : i32
    %mul3A_41 = arith.muli %arg1, %mul3A_40 : i32
    "tpu.region"() ({
      %run_scoped3A = tpu.sem_alloc : memref<!tpu.dma_semaphore, #tpu.memory_space<semaphore_mem>>
      %dma_start3A = arith.constant 0 : i32
      %dma_start3A_42 = tpu.memref_slice %arg5[%add3A_22, %mul3A_41, %dma_start3A] : memref<4x10240x128xf32, #tpu.memory_space<hbm>> -> memref<1x640x128xf32, #tpu.memory_space<hbm>>
      %dma_start3A_43 = tpu.memref_squeeze %dma_start3A_42 : memref<1x640x128xf32, #tpu.memory_space<hbm>> -> memref<640x128xf32, #tpu.memory_space<hbm>>
      %dma_start3A_44 = arith.constant 0 : i32
      %dma_start3A_45 = tpu.memref_slice %arg10[%mul3A_39, %dma_start3A_44] : memref<10240x128xf32, #tpu.memory_space<vmem_shared>> -> memref<640x128xf32, #tpu.memory_space<vmem_shared>>
      tpu.enqueue_dma source(%dma_start3A_45 : memref<640x128xf32, #tpu.memory_space<vmem_shared>>) target(%dma_start3A_43 : memref<640x128xf32, #tpu.memory_space<hbm>>) target_semaphore(%run_scoped3A : memref<!tpu.dma_semaphore, #tpu.memory_space<semaphore_mem>>)
      %dma_wait3A = arith.constant 0 : i32
      %dma_wait3A_46 = tpu.memref_slice %arg5[%add3A_22, %mul3A_41, %dma_wait3A] : memref<4x10240x128xf32, #tpu.memory_space<hbm>> -> memref<1x640x128xf32, #tpu.memory_space<hbm>>
      %dma_wait3A_47 = tpu.memref_squeeze %dma_wait3A_46 : memref<1x640x128xf32, #tpu.memory_space<hbm>> -> memref<640x128xf32, #tpu.memory_space<hbm>>
      %dma_wait3A_48 = arith.constant 0 : i32
      %dma_wait3A_49 = tpu.memref_slice %arg10[%mul3A_39, %dma_wait3A_48] : memref<10240x128xf32, #tpu.memory_space<vmem_shared>> -> memref<640x128xf32, #tpu.memory_space<vmem_shared>>
      tpu.wait_dma2 semaphore(%run_scoped3A : memref<!tpu.dma_semaphore, #tpu.memory_space<semaphore_mem>>) src(%dma_wait3A_49 : memref<640x128xf32, #tpu.memory_space<vmem_shared>>) dst(%dma_wait3A_47 : memref<640x128xf32, #tpu.memory_space<hbm>>)
      tpu.yield
    }) : () -> ()
    return
  }
}

#map = affine_map<(d0, d1) -> (0, 0, 0, 0)>
#map1 = affine_map<(d0, d1) -> (0, 0)>
#map2 = affine_map<(d0, d1) -> (0, 0, 0)>
module attributes {stable_mosaic.version = 14 : i64} {
  func.func @_deg_counts(%arg0: i32, %arg1: i32, %arg2: memref<2x16x40x128xi32, #tpu.memory_space<hbm>>, %arg3: memref<128x16xf32, #tpu.memory_space<hbm>>, %arg4: memref<640x16xf32, #tpu.memory_space<hbm>>, %arg5: memref<2x10240x16xf32, #tpu.memory_space<hbm>>, %arg6: memref<40x128xi32, #tpu.memory_space<vmem>>, %arg7: memref<128x16xf32, #tpu.memory_space<vmem>>, %arg8: memref<10240x16xf32, #tpu.memory_space<vmem_shared>>) attributes {dimension_semantics = [#tpu.dimension_semantics<core_parallel>, #tpu.dimension_semantics<subcore_parallel>], iteration_bounds = array<i64: 2, 16>, scalar_prefetch = 0 : i64, scratch_operands = 3 : i64, tpu.core_type = #tpu.core_type<sc_vector_subcore>, window_params = [{transform_indices = #map}, {transform_indices = #map1}, {transform_indices = #map1}, {transform_indices = #map2}]} {
    "tpu.region"() ({
      %run_scoped3A = tpu.sem_alloc : memref<!tpu.dma_semaphore, #tpu.memory_space<semaphore_mem>>
      %dma_start3A = arith.constant 0 : i32
      %dma_start3A_11 = arith.constant 0 : i32
      %dma_start3A_12 = tpu.memref_slice %arg2[%arg0, %arg1, %dma_start3A, %dma_start3A_11] : memref<2x16x40x128xi32, #tpu.memory_space<hbm>> -> memref<1x1x40x128xi32, #tpu.memory_space<hbm>>
      %dma_start3A_13 = tpu.memref_squeeze %dma_start3A_12 : memref<1x1x40x128xi32, #tpu.memory_space<hbm>> -> memref<40x128xi32, #tpu.memory_space<hbm>>
      %dma_start3A_14 = arith.constant 0 : i32
      %dma_start3A_15 = arith.constant 0 : i32
      %dma_start3A_16 = tpu.memref_slice %arg2[%arg0, %arg1, %dma_start3A_14, %dma_start3A_15] : memref<2x16x40x128xi32, #tpu.memory_space<hbm>> -> memref<1x1x40x128xi32, #tpu.memory_space<hbm>>
      %dma_start3A_17 = tpu.memref_squeeze %dma_start3A_16 : memref<1x1x40x128xi32, #tpu.memory_space<hbm>> -> memref<40x128xi32, #tpu.memory_space<hbm>>
      tpu.enqueue_dma source(%dma_start3A_17 : memref<40x128xi32, #tpu.memory_space<hbm>>) target(%arg6 : memref<40x128xi32, #tpu.memory_space<vmem>>) target_semaphore(%run_scoped3A : memref<!tpu.dma_semaphore, #tpu.memory_space<semaphore_mem>>)
      %dma_wait3A = arith.constant 0 : i32
      %dma_wait3A_18 = arith.constant 0 : i32
      %dma_wait3A_19 = tpu.memref_slice %arg2[%arg0, %arg1, %dma_wait3A, %dma_wait3A_18] : memref<2x16x40x128xi32, #tpu.memory_space<hbm>> -> memref<1x1x40x128xi32, #tpu.memory_space<hbm>>
      %dma_wait3A_20 = tpu.memref_squeeze %dma_wait3A_19 : memref<1x1x40x128xi32, #tpu.memory_space<hbm>> -> memref<40x128xi32, #tpu.memory_space<hbm>>
      %dma_wait3A_21 = arith.constant 0 : i32
      %dma_wait3A_22 = arith.constant 0 : i32
      %dma_wait3A_23 = tpu.memref_slice %arg2[%arg0, %arg1, %dma_wait3A_21, %dma_wait3A_22] : memref<2x16x40x128xi32, #tpu.memory_space<hbm>> -> memref<1x1x40x128xi32, #tpu.memory_space<hbm>>
      %dma_wait3A_24 = tpu.memref_squeeze %dma_wait3A_23 : memref<1x1x40x128xi32, #tpu.memory_space<hbm>> -> memref<40x128xi32, #tpu.memory_space<hbm>>
      tpu.wait_dma2 semaphore(%run_scoped3A : memref<!tpu.dma_semaphore, #tpu.memory_space<semaphore_mem>>) src(%dma_wait3A_24 : memref<40x128xi32, #tpu.memory_space<hbm>>) dst(%arg6 : memref<40x128xi32, #tpu.memory_space<vmem>>)
      tpu.yield
    }) : () -> ()
    "tpu.region"() ({
      %run_scoped3A = tpu.sem_alloc : memref<!tpu.dma_semaphore, #tpu.memory_space<semaphore_mem>>
      tpu.enqueue_dma source(%arg3 : memref<128x16xf32, #tpu.memory_space<hbm>>) target(%arg7 : memref<128x16xf32, #tpu.memory_space<vmem>>) target_semaphore(%run_scoped3A : memref<!tpu.dma_semaphore, #tpu.memory_space<semaphore_mem>>)
      tpu.wait_dma2 semaphore(%run_scoped3A : memref<!tpu.dma_semaphore, #tpu.memory_space<semaphore_mem>>) src(%arg3 : memref<128x16xf32, #tpu.memory_space<hbm>>) dst(%arg7 : memref<128x16xf32, #tpu.memory_space<vmem>>)
      tpu.yield
    }) : () -> ()
    %mul3A = arith.constant 640 : i32
    %mul3A_0 = arith.muli %arg1, %mul3A : i32
    "tpu.region"() ({
      %run_scoped3A = tpu.sem_alloc : memref<!tpu.dma_semaphore, #tpu.memory_space<semaphore_mem>>
      %dma_start3A = arith.constant 0 : i32
      %dma_start3A_11 = tpu.memref_slice %arg8[%mul3A_0, %dma_start3A] : memref<10240x16xf32, #tpu.memory_space<vmem_shared>> -> memref<640x16xf32, #tpu.memory_space<vmem_shared>>
      tpu.enqueue_dma source(%arg4 : memref<640x16xf32, #tpu.memory_space<hbm>>) target(%dma_start3A_11 : memref<640x16xf32, #tpu.memory_space<vmem_shared>>) target_semaphore(%run_scoped3A : memref<!tpu.dma_semaphore, #tpu.memory_space<semaphore_mem>>)
      %dma_wait3A = arith.constant 0 : i32
      %dma_wait3A_12 = tpu.memref_slice %arg8[%mul3A_0, %dma_wait3A] : memref<10240x16xf32, #tpu.memory_space<vmem_shared>> -> memref<640x16xf32, #tpu.memory_space<vmem_shared>>
      tpu.wait_dma2 semaphore(%run_scoped3A : memref<!tpu.dma_semaphore, #tpu.memory_space<semaphore_mem>>) src(%arg4 : memref<640x16xf32, #tpu.memory_space<hbm>>) dst(%dma_wait3A_12 : memref<640x16xf32, #tpu.memory_space<vmem_shared>>)
      tpu.yield
    }) : () -> ()
    %barrier3A = arith.constant 0 : index
    tpu.barrier barrier_id(%barrier3A)
    %scan3A = arith.constant 0 : i32
    %scan3A_1 = arith.constant 0 : i32
    %scan3A_2 = arith.constant 40 : i32
    %scan3A_3 = arith.addi %scan3A_1, %scan3A_2 : i32
    %scan3A_4 = arith.constant 1 : i32
    scf.for %scan3A_11 = %scan3A_1 to %scan3A_3 step %scan3A_4  : i32 {
      "tpu.region"() ({
        %run_scoped3A = tpu.sem_alloc : memref<!tpu.dma_semaphore, #tpu.memory_space<semaphore_mem>>
        %dma_start3A = arith.constant 0 : i32
        %dma_start3A_12 = tpu.memref_slice %arg6[%scan3A_11, %dma_start3A] : memref<40x128xi32, #tpu.memory_space<vmem>> -> memref<1x128xi32, #tpu.memory_space<vmem>>
        %dma_start3A_13 = tpu.memref_squeeze %dma_start3A_12 : memref<1x128xi32, #tpu.memory_space<vmem>> -> memref<128xi32, #tpu.memory_space<vmem>>
        %dma_start3A_14 = arith.constant 0 : i32
        %dma_start3A_15 = arith.constant 0 : i32
        %dma_start3A_16 = tpu.memref_slice %arg8[%dma_start3A_14, %dma_start3A_15] : memref<10240x16xf32, #tpu.memory_space<vmem_shared>> -> memref<10240x16xf32, #tpu.memory_space<vmem_shared>>
        tpu.enqueue_indirect_dma source(%arg7 : memref<128x16xf32, #tpu.memory_space<vmem>>) target(%dma_start3A_16 : memref<10240x16xf32, #tpu.memory_space<vmem_shared>>) offsets(%dma_start3A_13 : memref<128xi32, #tpu.memory_space<vmem>>) semaphore(%run_scoped3A : memref<!tpu.dma_semaphore, #tpu.memory_space<semaphore_mem>>) {add = true}
        %dma_wait3A = arith.constant 0 : i32
        %dma_wait3A_17 = tpu.memref_slice %arg6[%scan3A_11, %dma_wait3A] : memref<40x128xi32, #tpu.memory_space<vmem>> -> memref<1x128xi32, #tpu.memory_space<vmem>>
        %dma_wait3A_18 = tpu.memref_squeeze %dma_wait3A_17 : memref<1x128xi32, #tpu.memory_space<vmem>> -> memref<128xi32, #tpu.memory_space<vmem>>
        %dma_wait3A_19 = arith.constant 0 : i32
        %dma_wait3A_20 = arith.constant 0 : i32
        %dma_wait3A_21 = tpu.memref_slice %arg8[%dma_wait3A_19, %dma_wait3A_20] : memref<10240x16xf32, #tpu.memory_space<vmem_shared>> -> memref<10240x16xf32, #tpu.memory_space<vmem_shared>>
        tpu.wait_indirect_dma semaphore(%run_scoped3A : memref<!tpu.dma_semaphore, #tpu.memory_space<semaphore_mem>>) src(%arg7 : memref<128x16xf32, #tpu.memory_space<vmem>>) dst(%dma_wait3A_21 : memref<10240x16xf32, #tpu.memory_space<vmem_shared>>)
        tpu.yield
      }) : () -> ()
    }
    %scan3A_5 = arith.constant 40 : i32
    %barrier3A_6 = arith.constant 0 : index
    tpu.barrier barrier_id(%barrier3A_6)
    %mul3A_7 = arith.constant 640 : i32
    %mul3A_8 = arith.muli %arg1, %mul3A_7 : i32
    %mul3A_9 = arith.constant 640 : i32
    %mul3A_10 = arith.muli %arg1, %mul3A_9 : i32
    "tpu.region"() ({
      %run_scoped3A = tpu.sem_alloc : memref<!tpu.dma_semaphore, #tpu.memory_space<semaphore_mem>>
      %dma_start3A = arith.constant 0 : i32
      %dma_start3A_11 = tpu.memref_slice %arg5[%arg0, %mul3A_10, %dma_start3A] : memref<2x10240x16xf32, #tpu.memory_space<hbm>> -> memref<1x640x16xf32, #tpu.memory_space<hbm>>
      %dma_start3A_12 = tpu.memref_squeeze %dma_start3A_11 : memref<1x640x16xf32, #tpu.memory_space<hbm>> -> memref<640x16xf32, #tpu.memory_space<hbm>>
      %dma_start3A_13 = arith.constant 0 : i32
      %dma_start3A_14 = tpu.memref_slice %arg8[%mul3A_8, %dma_start3A_13] : memref<10240x16xf32, #tpu.memory_space<vmem_shared>> -> memref<640x16xf32, #tpu.memory_space<vmem_shared>>
      tpu.enqueue_dma source(%dma_start3A_14 : memref<640x16xf32, #tpu.memory_space<vmem_shared>>) target(%dma_start3A_12 : memref<640x16xf32, #tpu.memory_space<hbm>>) target_semaphore(%run_scoped3A : memref<!tpu.dma_semaphore, #tpu.memory_space<semaphore_mem>>)
      %dma_wait3A = arith.constant 0 : i32
      %dma_wait3A_15 = tpu.memref_slice %arg5[%arg0, %mul3A_10, %dma_wait3A] : memref<2x10240x16xf32, #tpu.memory_space<hbm>> -> memref<1x640x16xf32, #tpu.memory_space<hbm>>
      %dma_wait3A_16 = tpu.memref_squeeze %dma_wait3A_15 : memref<1x640x16xf32, #tpu.memory_space<hbm>> -> memref<640x16xf32, #tpu.memory_space<hbm>>
      %dma_wait3A_17 = arith.constant 0 : i32
      %dma_wait3A_18 = tpu.memref_slice %arg8[%mul3A_8, %dma_wait3A_17] : memref<10240x16xf32, #tpu.memory_space<vmem_shared>> -> memref<640x16xf32, #tpu.memory_space<vmem_shared>>
      tpu.wait_dma2 semaphore(%run_scoped3A : memref<!tpu.dma_semaphore, #tpu.memory_space<semaphore_mem>>) src(%dma_wait3A_18 : memref<640x16xf32, #tpu.memory_space<vmem_shared>>) dst(%dma_wait3A_16 : memref<640x16xf32, #tpu.memory_space<hbm>>)
      tpu.yield
    }) : () -> ()
    return
  }
}

#map = affine_map<(d0, d1) -> (0, 0)>
#map1 = affine_map<(d0, d1) -> (0, 0, 0)>
module attributes {stable_mosaic.version = 14 : i64} {
  func.func @_gcn_aggregate(%arg0: i32, %arg1: i32, %arg2: memref<40960x128xf32, #tpu.memory_space<hbm>>, %arg3: memref<16x80x128xi32, #tpu.memory_space<hbm>>, %arg4: memref<16x80x128xi32, #tpu.memory_space<hbm>>, %arg5: memref<4x10240x128xf32, #tpu.memory_space<hbm>>, %arg6: memref<80x128xi32, #tpu.memory_space<vmem>>, %arg7: memref<80x128xi32, #tpu.memory_space<vmem>>, %arg8: memref<128xi32, #tpu.memory_space<vmem>>, %arg9: memref<128x128xf32, #tpu.memory_space<vmem>>, %arg10: memref<10240x128xf32, #tpu.memory_space<vmem_shared>>, %arg11: memref<!tpu.dma_semaphore, #tpu.memory_space<semaphore_mem>>) attributes {dimension_semantics = [#tpu.dimension_semantics<core_parallel>, #tpu.dimension_semantics<subcore_parallel>], iteration_bounds = array<i64: 2, 16>, scalar_prefetch = 0 : i64, scratch_operands = 6 : i64, tpu.core_type = #tpu.core_type<sc_vector_subcore>, window_params = [{transform_indices = #map}, {transform_indices = #map1}, {transform_indices = #map1}, {transform_indices = #map1}]} {
    "tpu.region"() ({
      %run_scoped3A = tpu.sem_alloc : memref<!tpu.dma_semaphore, #tpu.memory_space<semaphore_mem>>
      %dma_start3A = arith.constant 0 : i32
      %dma_start3A_42 = arith.constant 0 : i32
      %dma_start3A_43 = tpu.memref_slice %arg3[%arg1, %dma_start3A, %dma_start3A_42] : memref<16x80x128xi32, #tpu.memory_space<hbm>> -> memref<1x80x128xi32, #tpu.memory_space<hbm>>
      %dma_start3A_44 = tpu.memref_squeeze %dma_start3A_43 : memref<1x80x128xi32, #tpu.memory_space<hbm>> -> memref<80x128xi32, #tpu.memory_space<hbm>>
      %dma_start3A_45 = arith.constant 0 : i32
      %dma_start3A_46 = arith.constant 0 : i32
      %dma_start3A_47 = tpu.memref_slice %arg3[%arg1, %dma_start3A_45, %dma_start3A_46] : memref<16x80x128xi32, #tpu.memory_space<hbm>> -> memref<1x80x128xi32, #tpu.memory_space<hbm>>
      %dma_start3A_48 = tpu.memref_squeeze %dma_start3A_47 : memref<1x80x128xi32, #tpu.memory_space<hbm>> -> memref<80x128xi32, #tpu.memory_space<hbm>>
      tpu.enqueue_dma source(%dma_start3A_48 : memref<80x128xi32, #tpu.memory_space<hbm>>) target(%arg6 : memref<80x128xi32, #tpu.memory_space<vmem>>) target_semaphore(%run_scoped3A : memref<!tpu.dma_semaphore, #tpu.memory_space<semaphore_mem>>)
      %dma_wait3A = arith.constant 0 : i32
      %dma_wait3A_49 = arith.constant 0 : i32
      %dma_wait3A_50 = tpu.memref_slice %arg3[%arg1, %dma_wait3A, %dma_wait3A_49] : memref<16x80x128xi32, #tpu.memory_space<hbm>> -> memref<1x80x128xi32, #tpu.memory_space<hbm>>
      %dma_wait3A_51 = tpu.memref_squeeze %dma_wait3A_50 : memref<1x80x128xi32, #tpu.memory_space<hbm>> -> memref<80x128xi32, #tpu.memory_space<hbm>>
      %dma_wait3A_52 = arith.constant 0 : i32
      %dma_wait3A_53 = arith.constant 0 : i32
      %dma_wait3A_54 = tpu.memref_slice %arg3[%arg1, %dma_wait3A_52, %dma_wait3A_53] : memref<16x80x128xi32, #tpu.memory_space<hbm>> -> memref<1x80x128xi32, #tpu.memory_space<hbm>>
      %dma_wait3A_55 = tpu.memref_squeeze %dma_wait3A_54 : memref<1x80x128xi32, #tpu.memory_space<hbm>> -> memref<80x128xi32, #tpu.memory_space<hbm>>
      tpu.wait_dma2 semaphore(%run_scoped3A : memref<!tpu.dma_semaphore, #tpu.memory_space<semaphore_mem>>) src(%dma_wait3A_55 : memref<80x128xi32, #tpu.memory_space<hbm>>) dst(%arg6 : memref<80x128xi32, #tpu.memory_space<vmem>>)
      tpu.yield
    }) : () -> ()
    "tpu.region"() ({
      %run_scoped3A = tpu.sem_alloc : memref<!tpu.dma_semaphore, #tpu.memory_space<semaphore_mem>>
      %dma_start3A = arith.constant 0 : i32
      %dma_start3A_42 = arith.constant 0 : i32
      %dma_start3A_43 = tpu.memref_slice %arg4[%arg1, %dma_start3A, %dma_start3A_42] : memref<16x80x128xi32, #tpu.memory_space<hbm>> -> memref<1x80x128xi32, #tpu.memory_space<hbm>>
      %dma_start3A_44 = tpu.memref_squeeze %dma_start3A_43 : memref<1x80x128xi32, #tpu.memory_space<hbm>> -> memref<80x128xi32, #tpu.memory_space<hbm>>
      %dma_start3A_45 = arith.constant 0 : i32
      %dma_start3A_46 = arith.constant 0 : i32
      %dma_start3A_47 = tpu.memref_slice %arg4[%arg1, %dma_start3A_45, %dma_start3A_46] : memref<16x80x128xi32, #tpu.memory_space<hbm>> -> memref<1x80x128xi32, #tpu.memory_space<hbm>>
      %dma_start3A_48 = tpu.memref_squeeze %dma_start3A_47 : memref<1x80x128xi32, #tpu.memory_space<hbm>> -> memref<80x128xi32, #tpu.memory_space<hbm>>
      tpu.enqueue_dma source(%dma_start3A_48 : memref<80x128xi32, #tpu.memory_space<hbm>>) target(%arg7 : memref<80x128xi32, #tpu.memory_space<vmem>>) target_semaphore(%run_scoped3A : memref<!tpu.dma_semaphore, #tpu.memory_space<semaphore_mem>>)
      %dma_wait3A = arith.constant 0 : i32
      %dma_wait3A_49 = arith.constant 0 : i32
      %dma_wait3A_50 = tpu.memref_slice %arg4[%arg1, %dma_wait3A, %dma_wait3A_49] : memref<16x80x128xi32, #tpu.memory_space<hbm>> -> memref<1x80x128xi32, #tpu.memory_space<hbm>>
      %dma_wait3A_51 = tpu.memref_squeeze %dma_wait3A_50 : memref<1x80x128xi32, #tpu.memory_space<hbm>> -> memref<80x128xi32, #tpu.memory_space<hbm>>
      %dma_wait3A_52 = arith.constant 0 : i32
      %dma_wait3A_53 = arith.constant 0 : i32
      %dma_wait3A_54 = tpu.memref_slice %arg4[%arg1, %dma_wait3A_52, %dma_wait3A_53] : memref<16x80x128xi32, #tpu.memory_space<hbm>> -> memref<1x80x128xi32, #tpu.memory_space<hbm>>
      %dma_wait3A_55 = tpu.memref_squeeze %dma_wait3A_54 : memref<1x80x128xi32, #tpu.memory_space<hbm>> -> memref<80x128xi32, #tpu.memory_space<hbm>>
      tpu.wait_dma2 semaphore(%run_scoped3A : memref<!tpu.dma_semaphore, #tpu.memory_space<semaphore_mem>>) src(%dma_wait3A_55 : memref<80x128xi32, #tpu.memory_space<hbm>>) dst(%arg7 : memref<80x128xi32, #tpu.memory_space<vmem>>)
      tpu.yield
    }) : () -> ()
    %mul3A = arith.constant 2 : i32
    %mul3A_0 = arith.muli %arg0, %mul3A : i32
    %add3A = arith.constant 0 : i32
    %add3A_1 = arith.addi %mul3A_0, %add3A : i32
    %mul3A_2 = arith.constant 10240 : i32
    %mul3A_3 = arith.muli %add3A_1, %mul3A_2 : i32
    %mul3A_4 = arith.constant 640 : i32
    %mul3A_5 = arith.muli %arg1, %mul3A_4 : i32
    %add3A_6 = arith.addi %mul3A_3, %mul3A_5 : i32
    %mul3A_7 = arith.constant 640 : i32
    %mul3A_8 = arith.muli %arg1, %mul3A_7 : i32
    "tpu.region"() ({
      %run_scoped3A = tpu.sem_alloc : memref<!tpu.dma_semaphore, #tpu.memory_space<semaphore_mem>>
      %dma_start3A = arith.constant 0 : i32
      %dma_start3A_42 = tpu.memref_slice %arg10[%mul3A_8, %dma_start3A] : memref<10240x128xf32, #tpu.memory_space<vmem_shared>> -> memref<640x128xf32, #tpu.memory_space<vmem_shared>>
      %dma_start3A_43 = arith.constant 0 : i32
      %dma_start3A_44 = tpu.memref_slice %arg2[%add3A_6, %dma_start3A_43] : memref<40960x128xf32, #tpu.memory_space<hbm>> -> memref<640x128xf32, #tpu.memory_space<hbm>>
      tpu.enqueue_dma source(%dma_start3A_44 : memref<640x128xf32, #tpu.memory_space<hbm>>) target(%dma_start3A_42 : memref<640x128xf32, #tpu.memory_space<vmem_shared>>) target_semaphore(%run_scoped3A : memref<!tpu.dma_semaphore, #tpu.memory_space<semaphore_mem>>)
      %dma_wait3A = arith.constant 0 : i32
      %dma_wait3A_45 = tpu.memref_slice %arg10[%mul3A_8, %dma_wait3A] : memref<10240x128xf32, #tpu.memory_space<vmem_shared>> -> memref<640x128xf32, #tpu.memory_space<vmem_shared>>
      %dma_wait3A_46 = arith.constant 0 : i32
      %dma_wait3A_47 = tpu.memref_slice %arg2[%add3A_6, %dma_wait3A_46] : memref<40960x128xf32, #tpu.memory_space<hbm>> -> memref<640x128xf32, #tpu.memory_space<hbm>>
      tpu.wait_dma2 semaphore(%run_scoped3A : memref<!tpu.dma_semaphore, #tpu.memory_space<semaphore_mem>>) src(%dma_wait3A_47 : memref<640x128xf32, #tpu.memory_space<hbm>>) dst(%dma_wait3A_45 : memref<640x128xf32, #tpu.memory_space<vmem_shared>>)
      tpu.yield
    }) : () -> ()
    %barrier3A = arith.constant 0 : index
    tpu.barrier barrier_id(%barrier3A)
    %scan3A = arith.constant 0 : i32
    %scan3A_9 = arith.constant 0 : i32
    %scan3A_10 = arith.constant 80 : i32
    %scan3A_11 = arith.addi %scan3A_9, %scan3A_10 : i32
    %scan3A_12 = arith.constant 1 : i32
    scf.for %scan3A_42 = %scan3A_9 to %scan3A_11 step %scan3A_12  : i32 {
      %get3A = arith.index_cast %scan3A_42 : i32 to index
      %get3A_43 = arith.constant 0 : index
      %get3A_44 = tpu.vector_load %arg6[%get3A, %get3A_43] {strides = array<i32>} : memref<80x128xi32, #tpu.memory_space<vmem>>, vector<1x16xi32>,
      %get3A_45 = vector.shape_cast %get3A_44 : vector<1x16xi32> to vector<16xi32>
      %add3A_46 = vector.broadcast %mul3A_3 : i32 to vector<16xi32>
      %add3A_47 = arith.addi %get3A_45, %add3A_46 : vector<16xi32>
      %swap3A = arith.constant 0 : index
      %swap3A_48 = tpu.vector_load %arg8[%swap3A] {strides = array<i32>} : memref<128xi32, #tpu.memory_space<vmem>>, vector<16xi32>,
      %swap3A_49 = vector.shape_cast %swap3A_48 : vector<16xi32> to vector<16xi32>
      %swap3A_50 = vector.shape_cast %add3A_47 : vector<16xi32> to vector<16xi32>
      tpu.vector_store %arg8[%swap3A], %swap3A_50 {strides = array<i32>} : memref<128xi32, #tpu.memory_space<vmem>>, vector<16xi32>,
      %get3A_51 = arith.index_cast %scan3A_42 : i32 to index
      %get3A_52 = arith.constant 16 : index
      %get3A_53 = tpu.vector_load %arg6[%get3A_51, %get3A_52] {strides = array<i32>} : memref<80x128xi32, #tpu.memory_space<vmem>>, vector<1x16xi32>,
      %get3A_54 = vector.shape_cast %get3A_53 : vector<1x16xi32> to vector<16xi32>
      %add3A_55 = vector.broadcast %mul3A_3 : i32 to vector<16xi32>
      %add3A_56 = arith.addi %get3A_54, %add3A_55 : vector<16xi32>
      %swap3A_57 = arith.constant 16 : index
      %swap3A_58 = tpu.vector_load %arg8[%swap3A_57] {strides = array<i32>} : memref<128xi32, #tpu.memory_space<vmem>>, vector<16xi32>,
      %swap3A_59 = vector.shape_cast %swap3A_58 : vector<16xi32> to vector<16xi32>
      %swap3A_60 = vector.shape_cast %add3A_56 : vector<16xi32> to vector<16xi32>
      tpu.vector_store %arg8[%swap3A_57], %swap3A_60 {strides = array<i32>} : memref<128xi32, #tpu.memory_space<vmem>>, vector<16xi32>,
      %get3A_61 = arith.index_cast %scan3A_42 : i32 to index
      %get3A_62 = arith.constant 32 : index
      %get3A_63 = tpu.vector_load %arg6[%get3A_61, %get3A_62] {strides = array<i32>} : memref<80x128xi32, #tpu.memory_space<vmem>>, vector<1x16xi32>,
      %get3A_64 = vector.shape_cast %get3A_63 : vector<1x16xi32> to vector<16xi32>
      %add3A_65 = vector.broadcast %mul3A_3 : i32 to vector<16xi32>
      %add3A_66 = arith.addi %get3A_64, %add3A_65 : vector<16xi32>
      %swap3A_67 = arith.constant 32 : index
      %swap3A_68 = tpu.vector_load %arg8[%swap3A_67] {strides = array<i32>} : memref<128xi32, #tpu.memory_space<vmem>>, vector<16xi32>,
      %swap3A_69 = vector.shape_cast %swap3A_68 : vector<16xi32> to vector<16xi32>
      %swap3A_70 = vector.shape_cast %add3A_66 : vector<16xi32> to vector<16xi32>
      tpu.vector_store %arg8[%swap3A_67], %swap3A_70 {strides = array<i32>} : memref<128xi32, #tpu.memory_space<vmem>>, vector<16xi32>,
      %get3A_71 = arith.index_cast %scan3A_42 : i32 to index
      %get3A_72 = arith.constant 48 : index
      %get3A_73 = tpu.vector_load %arg6[%get3A_71, %get3A_72] {strides = array<i32>} : memref<80x128xi32, #tpu.memory_space<vmem>>, vector<1x16xi32>,
      %get3A_74 = vector.shape_cast %get3A_73 : vector<1x16xi32> to vector<16xi32>
      %add3A_75 = vector.broadcast %mul3A_3 : i32 to vector<16xi32>
      %add3A_76 = arith.addi %get3A_74, %add3A_75 : vector<16xi32>
      %swap3A_77 = arith.constant 48 : index
      %swap3A_78 = tpu.vector_load %arg8[%swap3A_77] {strides = array<i32>} : memref<128xi32, #tpu.memory_space<vmem>>, vector<16xi32>,
      %swap3A_79 = vector.shape_cast %swap3A_78 : vector<16xi32> to vector<16xi32>
      %swap3A_80 = vector.shape_cast %add3A_76 : vector<16xi32> to vector<16xi32>
      tpu.vector_store %arg8[%swap3A_77], %swap3A_80 {strides = array<i32>} : memref<128xi32, #tpu.memory_space<vmem>>, vector<16xi32>,
      %get3A_81 = arith.index_cast %scan3A_42 : i32 to index
      %get3A_82 = arith.constant 64 : index
      %get3A_83 = tpu.vector_load %arg6[%get3A_81, %get3A_82] {strides = array<i32>} : memref<80x128xi32, #tpu.memory_space<vmem>>, vector<1x16xi32>,
      %get3A_84 = vector.shape_cast %get3A_83 : vector<1x16xi32> to vector<16xi32>
      %add3A_85 = vector.broadcast %mul3A_3 : i32 to vector<16xi32>
      %add3A_86 = arith.addi %get3A_84, %add3A_85 : vector<16xi32>
      %swap3A_87 = arith.constant 64 : index
      %swap3A_88 = tpu.vector_load %arg8[%swap3A_87] {strides = array<i32>} : memref<128xi32, #tpu.memory_space<vmem>>, vector<16xi32>,
      %swap3A_89 = vector.shape_cast %swap3A_88 : vector<16xi32> to vector<16xi32>
      %swap3A_90 = vector.shape_cast %add3A_86 : vector<16xi32> to vector<16xi32>
      tpu.vector_store %arg8[%swap3A_87], %swap3A_90 {strides = array<i32>} : memref<128xi32, #tpu.memory_space<vmem>>, vector<16xi32>,
      %get3A_91 = arith.index_cast %scan3A_42 : i32 to index
      %get3A_92 = arith.constant 80 : index
      %get3A_93 = tpu.vector_load %arg6[%get3A_91, %get3A_92] {strides = array<i32>} : memref<80x128xi32, #tpu.memory_space<vmem>>, vector<1x16xi32>,
      %get3A_94 = vector.shape_cast %get3A_93 : vector<1x16xi32> to vector<16xi32>
      %add3A_95 = vector.broadcast %mul3A_3 : i32 to vector<16xi32>
      %add3A_96 = arith.addi %get3A_94, %add3A_95 : vector<16xi32>
      %swap3A_97 = arith.constant 80 : index
      %swap3A_98 = tpu.vector_load %arg8[%swap3A_97] {strides = array<i32>} : memref<128xi32, #tpu.memory_space<vmem>>, vector<16xi32>,
      %swap3A_99 = vector.shape_cast %swap3A_98 : vector<16xi32> to vector<16xi32>
      %swap3A_100 = vector.shape_cast %add3A_96 : vector<16xi32> to vector<16xi32>
      tpu.vector_store %arg8[%swap3A_97], %swap3A_100 {strides = array<i32>} : memref<128xi32, #tpu.memory_space<vmem>>, vector<16xi32>,
      %get3A_101 = arith.index_cast %scan3A_42 : i32 to index
      %get3A_102 = arith.constant 96 : index
      %get3A_103 = tpu.vector_load %arg6[%get3A_101, %get3A_102] {strides = array<i32>} : memref<80x128xi32, #tpu.memory_space<vmem>>, vector<1x16xi32>,
      %get3A_104 = vector.shape_cast %get3A_103 : vector<1x16xi32> to vector<16xi32>
      %add3A_105 = vector.broadcast %mul3A_3 : i32 to vector<16xi32>
      %add3A_106 = arith.addi %get3A_104, %add3A_105 : vector<16xi32>
      %swap3A_107 = arith.constant 96 : index
      %swap3A_108 = tpu.vector_load %arg8[%swap3A_107] {strides = array<i32>} : memref<128xi32, #tpu.memory_space<vmem>>, vector<16xi32>,
      %swap3A_109 = vector.shape_cast %swap3A_108 : vector<16xi32> to vector<16xi32>
      %swap3A_110 = vector.shape_cast %add3A_106 : vector<16xi32> to vector<16xi32>
      tpu.vector_store %arg8[%swap3A_107], %swap3A_110 {strides = array<i32>} : memref<128xi32, #tpu.memory_space<vmem>>, vector<16xi32>,
      %get3A_111 = arith.index_cast %scan3A_42 : i32 to index
      %get3A_112 = arith.constant 112 : index
      %get3A_113 = tpu.vector_load %arg6[%get3A_111, %get3A_112] {strides = array<i32>} : memref<80x128xi32, #tpu.memory_space<vmem>>, vector<1x16xi32>,
      %get3A_114 = vector.shape_cast %get3A_113 : vector<1x16xi32> to vector<16xi32>
      %add3A_115 = vector.broadcast %mul3A_3 : i32 to vector<16xi32>
      %add3A_116 = arith.addi %get3A_114, %add3A_115 : vector<16xi32>
      %swap3A_117 = arith.constant 112 : index
      %swap3A_118 = tpu.vector_load %arg8[%swap3A_117] {strides = array<i32>} : memref<128xi32, #tpu.memory_space<vmem>>, vector<16xi32>,
      %swap3A_119 = vector.shape_cast %swap3A_118 : vector<16xi32> to vector<16xi32>
      %swap3A_120 = vector.shape_cast %add3A_116 : vector<16xi32> to vector<16xi32>
      tpu.vector_store %arg8[%swap3A_117], %swap3A_120 {strides = array<i32>} : memref<128xi32, #tpu.memory_space<vmem>>, vector<16xi32>,
      %dma_start3A = arith.constant 0 : i32
      %dma_start3A_121 = arith.constant 0 : i32
      %dma_start3A_122 = tpu.memref_slice %arg2[%dma_start3A, %dma_start3A_121] : memref<40960x128xf32, #tpu.memory_space<hbm>> -> memref<40960x128xf32, #tpu.memory_space<hbm>>
      tpu.enqueue_indirect_dma source(%dma_start3A_122 : memref<40960x128xf32, #tpu.memory_space<hbm>>) target(%arg9 : memref<128x128xf32, #tpu.memory_space<vmem>>) offsets(%arg8 : memref<128xi32, #tpu.memory_space<vmem>>) semaphore(%arg11 : memref<!tpu.dma_semaphore, #tpu.memory_space<semaphore_mem>>)
      %dma_wait3A = arith.constant 0 : i32
      %dma_wait3A_123 = arith.constant 0 : i32
      %dma_wait3A_124 = tpu.memref_slice %arg2[%dma_wait3A, %dma_wait3A_123] : memref<40960x128xf32, #tpu.memory_space<hbm>> -> memref<40960x128xf32, #tpu.memory_space<hbm>>
      tpu.wait_indirect_dma semaphore(%arg11 : memref<!tpu.dma_semaphore, #tpu.memory_space<semaphore_mem>>) src(%dma_wait3A_124 : memref<40960x128xf32, #tpu.memory_space<hbm>>) dst(%arg9 : memref<128x128xf32, #tpu.memory_space<vmem>>)
      "tpu.region"() ({
        %run_scoped3A = tpu.sem_alloc : memref<!tpu.dma_semaphore, #tpu.memory_space<semaphore_mem>>
        %dma_start3A_125 = arith.constant 0 : i32
        %dma_start3A_126 = tpu.memref_slice %arg7[%scan3A_42, %dma_start3A_125] : memref<80x128xi32, #tpu.memory_space<vmem>> -> memref<1x128xi32, #tpu.memory_space<vmem>>
        %dma_start3A_127 = tpu.memref_squeeze %dma_start3A_126 : memref<1x128xi32, #tpu.memory_space<vmem>> -> memref<128xi32, #tpu.memory_space<vmem>>
        %dma_start3A_128 = arith.constant 0 : i32
        %dma_start3A_129 = arith.constant 0 : i32
        %dma_start3A_130 = tpu.memref_slice %arg10[%dma_start3A_128, %dma_start3A_129] : memref<10240x128xf32, #tpu.memory_space<vmem_shared>> -> memref<10240x128xf32, #tpu.memory_space<vmem_shared>>
        tpu.enqueue_indirect_dma source(%arg9 : memref<128x128xf32, #tpu.memory_space<vmem>>) target(%dma_start3A_130 : memref<10240x128xf32, #tpu.memory_space<vmem_shared>>) offsets(%dma_start3A_127 : memref<128xi32, #tpu.memory_space<vmem>>) semaphore(%run_scoped3A : memref<!tpu.dma_semaphore, #tpu.memory_space<semaphore_mem>>) {add = true}
        %dma_wait3A_131 = arith.constant 0 : i32
        %dma_wait3A_132 = tpu.memref_slice %arg7[%scan3A_42, %dma_wait3A_131] : memref<80x128xi32, #tpu.memory_space<vmem>> -> memref<1x128xi32, #tpu.memory_space<vmem>>
        %dma_wait3A_133 = tpu.memref_squeeze %dma_wait3A_132 : memref<1x128xi32, #tpu.memory_space<vmem>> -> memref<128xi32, #tpu.memory_space<vmem>>
        %dma_wait3A_134 = arith.constant 0 : i32
        %dma_wait3A_135 = arith.constant 0 : i32
        %dma_wait3A_136 = tpu.memref_slice %arg10[%dma_wait3A_134, %dma_wait3A_135] : memref<10240x128xf32, #tpu.memory_space<vmem_shared>> -> memref<10240x128xf32, #tpu.memory_space<vmem_shared>>
        tpu.wait_indirect_dma semaphore(%run_scoped3A : memref<!tpu.dma_semaphore, #tpu.memory_space<semaphore_mem>>) src(%arg9 : memref<128x128xf32, #tpu.memory_space<vmem>>) dst(%dma_wait3A_136 : memref<10240x128xf32, #tpu.memory_space<vmem_shared>>)
        tpu.yield
      }) : () -> ()
    }
    %scan3A_13 = arith.constant 80 : i32
    %barrier3A_14 = arith.constant 0 : index
    tpu.barrier barrier_id(%barrier3A_14)
    %mul3A_15 = arith.constant 640 : i32
    %mul3A_16 = arith.muli %arg1, %mul3A_15 : i32
    %mul3A_17 = arith.constant 640 : i32
    %mul3A_18 = arith.muli %arg1, %mul3A_17 : i32
    "tpu.region"() ({
      %run_scoped3A = tpu.sem_alloc : memref<!tpu.dma_semaphore, #tpu.memory_space<semaphore_mem>>
      %dma_start3A = arith.constant 0 : i32
      %dma_start3A_42 = tpu.memref_slice %arg5[%add3A_1, %mul3A_18, %dma_start3A] : memref<4x10240x128xf32, #tpu.memory_space<hbm>> -> memref<1x640x128xf32, #tpu.memory_space<hbm>>
      %dma_start3A_43 = tpu.memref_squeeze %dma_start3A_42 : memref<1x640x128xf32, #tpu.memory_space<hbm>> -> memref<640x128xf32, #tpu.memory_space<hbm>>
      %dma_start3A_44 = arith.constant 0 : i32
      %dma_start3A_45 = tpu.memref_slice %arg10[%mul3A_16, %dma_start3A_44] : memref<10240x128xf32, #tpu.memory_space<vmem_shared>> -> memref<640x128xf32, #tpu.memory_space<vmem_shared>>
      tpu.enqueue_dma source(%dma_start3A_45 : memref<640x128xf32, #tpu.memory_space<vmem_shared>>) target(%dma_start3A_43 : memref<640x128xf32, #tpu.memory_space<hbm>>) target_semaphore(%run_scoped3A : memref<!tpu.dma_semaphore, #tpu.memory_space<semaphore_mem>>)
      %dma_wait3A = arith.constant 0 : i32
      %dma_wait3A_46 = tpu.memref_slice %arg5[%add3A_1, %mul3A_18, %dma_wait3A] : memref<4x10240x128xf32, #tpu.memory_space<hbm>> -> memref<1x640x128xf32, #tpu.memory_space<hbm>>
      %dma_wait3A_47 = tpu.memref_squeeze %dma_wait3A_46 : memref<1x640x128xf32, #tpu.memory_space<hbm>> -> memref<640x128xf32, #tpu.memory_space<hbm>>
      %dma_wait3A_48 = arith.constant 0 : i32
      %dma_wait3A_49 = tpu.memref_slice %arg10[%mul3A_16, %dma_wait3A_48] : memref<10240x128xf32, #tpu.memory_space<vmem_shared>> -> memref<640x128xf32, #tpu.memory_space<vmem_shared>>
      tpu.wait_dma2 semaphore(%run_scoped3A : memref<!tpu.dma_semaphore, #tpu.memory_space<semaphore_mem>>) src(%dma_wait3A_49 : memref<640x128xf32, #tpu.memory_space<vmem_shared>>) dst(%dma_wait3A_47 : memref<640x128xf32, #tpu.memory_space<hbm>>)
      tpu.yield
    }) : () -> ()
    %mul3A_19 = arith.constant 2 : i32
    %mul3A_20 = arith.muli %arg0, %mul3A_19 : i32
    %add3A_21 = arith.constant 1 : i32
    %add3A_22 = arith.addi %mul3A_20, %add3A_21 : i32
    %mul3A_23 = arith.constant 10240 : i32
    %mul3A_24 = arith.muli %add3A_22, %mul3A_23 : i32
    %mul3A_25 = arith.constant 640 : i32
    %mul3A_26 = arith.muli %arg1, %mul3A_25 : i32
    %add3A_27 = arith.addi %mul3A_24, %mul3A_26 : i32
    %mul3A_28 = arith.constant 640 : i32
    %mul3A_29 = arith.muli %arg1, %mul3A_28 : i32
    "tpu.region"() ({
      %run_scoped3A = tpu.sem_alloc : memref<!tpu.dma_semaphore, #tpu.memory_space<semaphore_mem>>
      %dma_start3A = arith.constant 0 : i32
      %dma_start3A_42 = tpu.memref_slice %arg10[%mul3A_29, %dma_start3A] : memref<10240x128xf32, #tpu.memory_space<vmem_shared>> -> memref<640x128xf32, #tpu.memory_space<vmem_shared>>
      %dma_start3A_43 = arith.constant 0 : i32
      %dma_start3A_44 = tpu.memref_slice %arg2[%add3A_27, %dma_start3A_43] : memref<40960x128xf32, #tpu.memory_space<hbm>> -> memref<640x128xf32, #tpu.memory_space<hbm>>
      tpu.enqueue_dma source(%dma_start3A_44 : memref<640x128xf32, #tpu.memory_space<hbm>>) target(%dma_start3A_42 : memref<640x128xf32, #tpu.memory_space<vmem_shared>>) target_semaphore(%run_scoped3A : memref<!tpu.dma_semaphore, #tpu.memory_space<semaphore_mem>>)
      %dma_wait3A = arith.constant 0 : i32
      %dma_wait3A_45 = tpu.memref_slice %arg10[%mul3A_29, %dma_wait3A] : memref<10240x128xf32, #tpu.memory_space<vmem_shared>> -> memref<640x128xf32, #tpu.memory_space<vmem_shared>>
      %dma_wait3A_46 = arith.constant 0 : i32
      %dma_wait3A_47 = tpu.memref_slice %arg2[%add3A_27, %dma_wait3A_46] : memref<40960x128xf32, #tpu.memory_space<hbm>> -> memref<640x128xf32, #tpu.memory_space<hbm>>
      tpu.wait_dma2 semaphore(%run_scoped3A : memref<!tpu.dma_semaphore, #tpu.memory_space<semaphore_mem>>) src(%dma_wait3A_47 : memref<640x128xf32, #tpu.memory_space<hbm>>) dst(%dma_wait3A_45 : memref<640x128xf32, #tpu.memory_space<vmem_shared>>)
      tpu.yield
    }) : () -> ()
    %barrier3A_30 = arith.constant 0 : index
    tpu.barrier barrier_id(%barrier3A_30)
    %scan3A_31 = arith.constant 0 : i32
    %scan3A_32 = arith.constant 0 : i32
    %scan3A_33 = arith.constant 80 : i32
    %scan3A_34 = arith.addi %scan3A_32, %scan3A_33 : i32
    %scan3A_35 = arith.constant 1 : i32
    scf.for %scan3A_42 = %scan3A_32 to %scan3A_34 step %scan3A_35  : i32 {
      %get3A = arith.index_cast %scan3A_42 : i32 to index
      %get3A_43 = arith.constant 0 : index
      %get3A_44 = tpu.vector_load %arg6[%get3A, %get3A_43] {strides = array<i32>} : memref<80x128xi32, #tpu.memory_space<vmem>>, vector<1x16xi32>,
      %get3A_45 = vector.shape_cast %get3A_44 : vector<1x16xi32> to vector<16xi32>
      %add3A_46 = vector.broadcast %mul3A_24 : i32 to vector<16xi32>
      %add3A_47 = arith.addi %get3A_45, %add3A_46 : vector<16xi32>
      %swap3A = arith.constant 0 : index
      %swap3A_48 = tpu.vector_load %arg8[%swap3A] {strides = array<i32>} : memref<128xi32, #tpu.memory_space<vmem>>, vector<16xi32>,
      %swap3A_49 = vector.shape_cast %swap3A_48 : vector<16xi32> to vector<16xi32>
      %swap3A_50 = vector.shape_cast %add3A_47 : vector<16xi32> to vector<16xi32>
      tpu.vector_store %arg8[%swap3A], %swap3A_50 {strides = array<i32>} : memref<128xi32, #tpu.memory_space<vmem>>, vector<16xi32>,
      %get3A_51 = arith.index_cast %scan3A_42 : i32 to index
      %get3A_52 = arith.constant 16 : index
      %get3A_53 = tpu.vector_load %arg6[%get3A_51, %get3A_52] {strides = array<i32>} : memref<80x128xi32, #tpu.memory_space<vmem>>, vector<1x16xi32>,
      %get3A_54 = vector.shape_cast %get3A_53 : vector<1x16xi32> to vector<16xi32>
      %add3A_55 = vector.broadcast %mul3A_24 : i32 to vector<16xi32>
      %add3A_56 = arith.addi %get3A_54, %add3A_55 : vector<16xi32>
      %swap3A_57 = arith.constant 16 : index
      %swap3A_58 = tpu.vector_load %arg8[%swap3A_57] {strides = array<i32>} : memref<128xi32, #tpu.memory_space<vmem>>, vector<16xi32>,
      %swap3A_59 = vector.shape_cast %swap3A_58 : vector<16xi32> to vector<16xi32>
      %swap3A_60 = vector.shape_cast %add3A_56 : vector<16xi32> to vector<16xi32>
      tpu.vector_store %arg8[%swap3A_57], %swap3A_60 {strides = array<i32>} : memref<128xi32, #tpu.memory_space<vmem>>, vector<16xi32>,
      %get3A_61 = arith.index_cast %scan3A_42 : i32 to index
      %get3A_62 = arith.constant 32 : index
      %get3A_63 = tpu.vector_load %arg6[%get3A_61, %get3A_62] {strides = array<i32>} : memref<80x128xi32, #tpu.memory_space<vmem>>, vector<1x16xi32>,
      %get3A_64 = vector.shape_cast %get3A_63 : vector<1x16xi32> to vector<16xi32>
      %add3A_65 = vector.broadcast %mul3A_24 : i32 to vector<16xi32>
      %add3A_66 = arith.addi %get3A_64, %add3A_65 : vector<16xi32>
      %swap3A_67 = arith.constant 32 : index
      %swap3A_68 = tpu.vector_load %arg8[%swap3A_67] {strides = array<i32>} : memref<128xi32, #tpu.memory_space<vmem>>, vector<16xi32>,
      %swap3A_69 = vector.shape_cast %swap3A_68 : vector<16xi32> to vector<16xi32>
      %swap3A_70 = vector.shape_cast %add3A_66 : vector<16xi32> to vector<16xi32>
      tpu.vector_store %arg8[%swap3A_67], %swap3A_70 {strides = array<i32>} : memref<128xi32, #tpu.memory_space<vmem>>, vector<16xi32>,
      %get3A_71 = arith.index_cast %scan3A_42 : i32 to index
      %get3A_72 = arith.constant 48 : index
      %get3A_73 = tpu.vector_load %arg6[%get3A_71, %get3A_72] {strides = array<i32>} : memref<80x128xi32, #tpu.memory_space<vmem>>, vector<1x16xi32>,
      %get3A_74 = vector.shape_cast %get3A_73 : vector<1x16xi32> to vector<16xi32>
      %add3A_75 = vector.broadcast %mul3A_24 : i32 to vector<16xi32>
      %add3A_76 = arith.addi %get3A_74, %add3A_75 : vector<16xi32>
      %swap3A_77 = arith.constant 48 : index
      %swap3A_78 = tpu.vector_load %arg8[%swap3A_77] {strides = array<i32>} : memref<128xi32, #tpu.memory_space<vmem>>, vector<16xi32>,
      %swap3A_79 = vector.shape_cast %swap3A_78 : vector<16xi32> to vector<16xi32>
      %swap3A_80 = vector.shape_cast %add3A_76 : vector<16xi32> to vector<16xi32>
      tpu.vector_store %arg8[%swap3A_77], %swap3A_80 {strides = array<i32>} : memref<128xi32, #tpu.memory_space<vmem>>, vector<16xi32>,
      %get3A_81 = arith.index_cast %scan3A_42 : i32 to index
      %get3A_82 = arith.constant 64 : index
      %get3A_83 = tpu.vector_load %arg6[%get3A_81, %get3A_82] {strides = array<i32>} : memref<80x128xi32, #tpu.memory_space<vmem>>, vector<1x16xi32>,
      %get3A_84 = vector.shape_cast %get3A_83 : vector<1x16xi32> to vector<16xi32>
      %add3A_85 = vector.broadcast %mul3A_24 : i32 to vector<16xi32>
      %add3A_86 = arith.addi %get3A_84, %add3A_85 : vector<16xi32>
      %swap3A_87 = arith.constant 64 : index
      %swap3A_88 = tpu.vector_load %arg8[%swap3A_87] {strides = array<i32>} : memref<128xi32, #tpu.memory_space<vmem>>, vector<16xi32>,
      %swap3A_89 = vector.shape_cast %swap3A_88 : vector<16xi32> to vector<16xi32>
      %swap3A_90 = vector.shape_cast %add3A_86 : vector<16xi32> to vector<16xi32>
      tpu.vector_store %arg8[%swap3A_87], %swap3A_90 {strides = array<i32>} : memref<128xi32, #tpu.memory_space<vmem>>, vector<16xi32>,
      %get3A_91 = arith.index_cast %scan3A_42 : i32 to index
      %get3A_92 = arith.constant 80 : index
      %get3A_93 = tpu.vector_load %arg6[%get3A_91, %get3A_92] {strides = array<i32>} : memref<80x128xi32, #tpu.memory_space<vmem>>, vector<1x16xi32>,
      %get3A_94 = vector.shape_cast %get3A_93 : vector<1x16xi32> to vector<16xi32>
      %add3A_95 = vector.broadcast %mul3A_24 : i32 to vector<16xi32>
      %add3A_96 = arith.addi %get3A_94, %add3A_95 : vector<16xi32>
      %swap3A_97 = arith.constant 80 : index
      %swap3A_98 = tpu.vector_load %arg8[%swap3A_97] {strides = array<i32>} : memref<128xi32, #tpu.memory_space<vmem>>, vector<16xi32>,
      %swap3A_99 = vector.shape_cast %swap3A_98 : vector<16xi32> to vector<16xi32>
      %swap3A_100 = vector.shape_cast %add3A_96 : vector<16xi32> to vector<16xi32>
      tpu.vector_store %arg8[%swap3A_97], %swap3A_100 {strides = array<i32>} : memref<128xi32, #tpu.memory_space<vmem>>, vector<16xi32>,
      %get3A_101 = arith.index_cast %scan3A_42 : i32 to index
      %get3A_102 = arith.constant 96 : index
      %get3A_103 = tpu.vector_load %arg6[%get3A_101, %get3A_102] {strides = array<i32>} : memref<80x128xi32, #tpu.memory_space<vmem>>, vector<1x16xi32>,
      %get3A_104 = vector.shape_cast %get3A_103 : vector<1x16xi32> to vector<16xi32>
      %add3A_105 = vector.broadcast %mul3A_24 : i32 to vector<16xi32>
      %add3A_106 = arith.addi %get3A_104, %add3A_105 : vector<16xi32>
      %swap3A_107 = arith.constant 96 : index
      %swap3A_108 = tpu.vector_load %arg8[%swap3A_107] {strides = array<i32>} : memref<128xi32, #tpu.memory_space<vmem>>, vector<16xi32>,
      %swap3A_109 = vector.shape_cast %swap3A_108 : vector<16xi32> to vector<16xi32>
      %swap3A_110 = vector.shape_cast %add3A_106 : vector<16xi32> to vector<16xi32>
      tpu.vector_store %arg8[%swap3A_107], %swap3A_110 {strides = array<i32>} : memref<128xi32, #tpu.memory_space<vmem>>, vector<16xi32>,
      %get3A_111 = arith.index_cast %scan3A_42 : i32 to index
      %get3A_112 = arith.constant 112 : index
      %get3A_113 = tpu.vector_load %arg6[%get3A_111, %get3A_112] {strides = array<i32>} : memref<80x128xi32, #tpu.memory_space<vmem>>, vector<1x16xi32>,
      %get3A_114 = vector.shape_cast %get3A_113 : vector<1x16xi32> to vector<16xi32>
      %add3A_115 = vector.broadcast %mul3A_24 : i32 to vector<16xi32>
      %add3A_116 = arith.addi %get3A_114, %add3A_115 : vector<16xi32>
      %swap3A_117 = arith.constant 112 : index
      %swap3A_118 = tpu.vector_load %arg8[%swap3A_117] {strides = array<i32>} : memref<128xi32, #tpu.memory_space<vmem>>, vector<16xi32>,
      %swap3A_119 = vector.shape_cast %swap3A_118 : vector<16xi32> to vector<16xi32>
      %swap3A_120 = vector.shape_cast %add3A_116 : vector<16xi32> to vector<16xi32>
      tpu.vector_store %arg8[%swap3A_117], %swap3A_120 {strides = array<i32>} : memref<128xi32, #tpu.memory_space<vmem>>, vector<16xi32>,
      %dma_start3A = arith.constant 0 : i32
      %dma_start3A_121 = arith.constant 0 : i32
      %dma_start3A_122 = tpu.memref_slice %arg2[%dma_start3A, %dma_start3A_121] : memref<40960x128xf32, #tpu.memory_space<hbm>> -> memref<40960x128xf32, #tpu.memory_space<hbm>>
      tpu.enqueue_indirect_dma source(%dma_start3A_122 : memref<40960x128xf32, #tpu.memory_space<hbm>>) target(%arg9 : memref<128x128xf32, #tpu.memory_space<vmem>>) offsets(%arg8 : memref<128xi32, #tpu.memory_space<vmem>>) semaphore(%arg11 : memref<!tpu.dma_semaphore, #tpu.memory_space<semaphore_mem>>)
      %dma_wait3A = arith.constant 0 : i32
      %dma_wait3A_123 = arith.constant 0 : i32
      %dma_wait3A_124 = tpu.memref_slice %arg2[%dma_wait3A, %dma_wait3A_123] : memref<40960x128xf32, #tpu.memory_space<hbm>> -> memref<40960x128xf32, #tpu.memory_space<hbm>>
      tpu.wait_indirect_dma semaphore(%arg11 : memref<!tpu.dma_semaphore, #tpu.memory_space<semaphore_mem>>) src(%dma_wait3A_124 : memref<40960x128xf32, #tpu.memory_space<hbm>>) dst(%arg9 : memref<128x128xf32, #tpu.memory_space<vmem>>)
      "tpu.region"() ({
        %run_scoped3A = tpu.sem_alloc : memref<!tpu.dma_semaphore, #tpu.memory_space<semaphore_mem>>
        %dma_start3A_125 = arith.constant 0 : i32
        %dma_start3A_126 = tpu.memref_slice %arg7[%scan3A_42, %dma_start3A_125] : memref<80x128xi32, #tpu.memory_space<vmem>> -> memref<1x128xi32, #tpu.memory_space<vmem>>
        %dma_start3A_127 = tpu.memref_squeeze %dma_start3A_126 : memref<1x128xi32, #tpu.memory_space<vmem>> -> memref<128xi32, #tpu.memory_space<vmem>>
        %dma_start3A_128 = arith.constant 0 : i32
        %dma_start3A_129 = arith.constant 0 : i32
        %dma_start3A_130 = tpu.memref_slice %arg10[%dma_start3A_128, %dma_start3A_129] : memref<10240x128xf32, #tpu.memory_space<vmem_shared>> -> memref<10240x128xf32, #tpu.memory_space<vmem_shared>>
        tpu.enqueue_indirect_dma source(%arg9 : memref<128x128xf32, #tpu.memory_space<vmem>>) target(%dma_start3A_130 : memref<10240x128xf32, #tpu.memory_space<vmem_shared>>) offsets(%dma_start3A_127 : memref<128xi32, #tpu.memory_space<vmem>>) semaphore(%run_scoped3A : memref<!tpu.dma_semaphore, #tpu.memory_space<semaphore_mem>>) {add = true}
        %dma_wait3A_131 = arith.constant 0 : i32
        %dma_wait3A_132 = tpu.memref_slice %arg7[%scan3A_42, %dma_wait3A_131] : memref<80x128xi32, #tpu.memory_space<vmem>> -> memref<1x128xi32, #tpu.memory_space<vmem>>
        %dma_wait3A_133 = tpu.memref_squeeze %dma_wait3A_132 : memref<1x128xi32, #tpu.memory_space<vmem>> -> memref<128xi32, #tpu.memory_space<vmem>>
        %dma_wait3A_134 = arith.constant 0 : i32
        %dma_wait3A_135 = arith.constant 0 : i32
        %dma_wait3A_136 = tpu.memref_slice %arg10[%dma_wait3A_134, %dma_wait3A_135] : memref<10240x128xf32, #tpu.memory_space<vmem_shared>> -> memref<10240x128xf32, #tpu.memory_space<vmem_shared>>
        tpu.wait_indirect_dma semaphore(%run_scoped3A : memref<!tpu.dma_semaphore, #tpu.memory_space<semaphore_mem>>) src(%arg9 : memref<128x128xf32, #tpu.memory_space<vmem>>) dst(%dma_wait3A_136 : memref<10240x128xf32, #tpu.memory_space<vmem_shared>>)
        tpu.yield
      }) : () -> ()
    }
    %scan3A_36 = arith.constant 80 : i32
    %barrier3A_37 = arith.constant 0 : index
    tpu.barrier barrier_id(%barrier3A_37)
    %mul3A_38 = arith.constant 640 : i32
    %mul3A_39 = arith.muli %arg1, %mul3A_38 : i32
    %mul3A_40 = arith.constant 640 : i32
    %mul3A_41 = arith.muli %arg1, %mul3A_40 : i32
    "tpu.region"() ({
      %run_scoped3A = tpu.sem_alloc : memref<!tpu.dma_semaphore, #tpu.memory_space<semaphore_mem>>
      %dma_start3A = arith.constant 0 : i32
      %dma_start3A_42 = tpu.memref_slice %arg5[%add3A_22, %mul3A_41, %dma_start3A] : memref<4x10240x128xf32, #tpu.memory_space<hbm>> -> memref<1x640x128xf32, #tpu.memory_space<hbm>>
      %dma_start3A_43 = tpu.memref_squeeze %dma_start3A_42 : memref<1x640x128xf32, #tpu.memory_space<hbm>> -> memref<640x128xf32, #tpu.memory_space<hbm>>
      %dma_start3A_44 = arith.constant 0 : i32
      %dma_start3A_45 = tpu.memref_slice %arg10[%mul3A_39, %dma_start3A_44] : memref<10240x128xf32, #tpu.memory_space<vmem_shared>> -> memref<640x128xf32, #tpu.memory_space<vmem_shared>>
      tpu.enqueue_dma source(%dma_start3A_45 : memref<640x128xf32, #tpu.memory_space<vmem_shared>>) target(%dma_start3A_43 : memref<640x128xf32, #tpu.memory_space<hbm>>) target_semaphore(%run_scoped3A : memref<!tpu.dma_semaphore, #tpu.memory_space<semaphore_mem>>)
      %dma_wait3A = arith.constant 0 : i32
      %dma_wait3A_46 = tpu.memref_slice %arg5[%add3A_22, %mul3A_41, %dma_wait3A] : memref<4x10240x128xf32, #tpu.memory_space<hbm>> -> memref<1x640x128xf32, #tpu.memory_space<hbm>>
      %dma_wait3A_47 = tpu.memref_squeeze %dma_wait3A_46 : memref<1x640x128xf32, #tpu.memory_space<hbm>> -> memref<640x128xf32, #tpu.memory_space<hbm>>
      %dma_wait3A_48 = arith.constant 0 : i32
      %dma_wait3A_49 = tpu.memref_slice %arg10[%mul3A_39, %dma_wait3A_48] : memref<10240x128xf32, #tpu.memory_space<vmem_shared>> -> memref<640x128xf32, #tpu.memory_space<vmem_shared>>
      tpu.wait_dma2 semaphore(%run_scoped3A : memref<!tpu.dma_semaphore, #tpu.memory_space<semaphore_mem>>) src(%dma_wait3A_49 : memref<640x128xf32, #tpu.memory_space<vmem_shared>>) dst(%dma_wait3A_47 : memref<640x128xf32, #tpu.memory_space<hbm>>)
      tpu.yield
    }) : () -> ()
    return
  }
}

module attributes {stable_mosaic.version = 14 : i64} {
  func.func @_tc1_body(%arg0: i32, %arg1: i32, %arg2: memref<1024x256xf32, #tpu.memory_space<vmem>>, %arg3: memref<256x128xf32, #tpu.memory_space<vmem>>, %arg4: memref<2x1024x16xf32, #tpu.memory_space<vmem>>, %arg5: memref<1x1024x128xf32, #tpu.memory_space<vmem>>) attributes {dimension_semantics = [#tpu.dimension_semantics<arbitrary>, #tpu.dimension_semantics<arbitrary>], iteration_bounds = array<i64: 10, 4>, scalar_prefetch = 0 : i64, scratch_operands = 0 : i64, tpu.core_type = #tpu.core_type<tc>, window_params = [{transform_indices = @transform_0, window_bounds = array<i64: 1024, 256>}, {transform_indices = @transform_1, window_bounds = array<i64: 256, 128>}, {transform_indices = @transform_2, window_bounds = array<i64: 2, 1024, 16>}, {transform_indices = @transform_3, window_bounds = array<i64: 1, 1024, 128>}]} {
    %get3A = arith.constant 0 : index
    %get3A_0 = arith.constant 0 : index
    %get3A_1 = arith.constant 0 : index
    %get3A_2 = vector.load %arg4[%get3A, %get3A_0, %get3A_1] : memref<2x1024x16xf32, #tpu.memory_space<vmem>>, vector<2x1024x16xf32>
    %slice3A = vector.extract_strided_slice %get3A_2 {offsets = [0, 0, 0], sizes = [1, 1024, 1], strides = [1, 1, 1]} : vector<2x1024x16xf32> to vector<1x1024x1xf32>
    %squeeze3A = vector.shape_cast %slice3A : vector<1x1024x1xf32> to vector<1024x1xf32>
    %add3A = arith.constant 1.000000e+00 : f32
    %add3A_3 = vector.broadcast %add3A : f32 to vector<1024x1xf32>
    %add3A_4 = arith.addf %add3A_3, %squeeze3A : vector<1024x1xf32>
    %slice3A_5 = vector.extract_strided_slice %get3A_2 {offsets = [1, 0, 0], sizes = [1, 1024, 1], strides = [1, 1, 1]} : vector<2x1024x16xf32> to vector<1x1024x1xf32>
    %squeeze3A_6 = vector.shape_cast %slice3A_5 : vector<1x1024x1xf32> to vector<1024x1xf32>
    %add3A_7 = arith.addf %add3A_4, %squeeze3A_6 : vector<1024x1xf32>
    %rsqrt3A = math.rsqrt %add3A_7 : vector<1024x1xf32>
    %get3A_8 = arith.constant 0 : index
    %get3A_9 = arith.constant 0 : index
    %get3A_10 = vector.load %arg2[%get3A_8, %get3A_9] : memref<1024x256xf32, #tpu.memory_space<vmem>>, vector<1024x256xf32>
    %get3A_11 = arith.constant 0 : index
    %get3A_12 = arith.constant 0 : index
    %get3A_13 = vector.load %arg3[%get3A_11, %get3A_12] : memref<256x128xf32, #tpu.memory_space<vmem>>, vector<256x128xf32>
    %dot_general3A = arith.constant dense<0.000000e+00> : vector<1024x128xf32>
    %dot_general3A_14 = tpu.matmul %get3A_10, %get3A_13, %dot_general3A {dimension_numbers = #tpu.dot_dimension_numbers<[1], [0], [0], [1], [0, 0, 1, 1], [], []>, transpose_lhs_hint = false} : vector<1024x256xf32>, vector<256x128xf32>, vector<1024x128xf32> -> vector<1024x128xf32>
    %mul3A = vector.broadcast %rsqrt3A : vector<1024x1xf32> to vector<1024x128xf32>
    %mul3A_15 = arith.mulf %dot_general3A_14, %mul3A : vector<1024x128xf32>
    %swap3A = arith.constant 0 : index
    %swap3A_16 = arith.constant 0 : index
    %swap3A_17 = arith.constant 0 : index
    %swap3A_18 = vector.load %arg5[%swap3A, %swap3A_16, %swap3A_17] : memref<1x1024x128xf32, #tpu.memory_space<vmem>>, vector<1x1024x128xf32>
    %swap3A_19 = vector.shape_cast %swap3A_18 : vector<1x1024x128xf32> to vector<1024x128xf32>
    %swap3A_20 = vector.shape_cast %mul3A_15 : vector<1024x128xf32> to vector<1x1024x128xf32>
    tpu.vector_store %arg5[%swap3A, %swap3A_16, %swap3A_17], %swap3A_20 {strides = array<i32>} : memref<1x1024x128xf32, #tpu.memory_space<vmem>>, vector<1x1024x128xf32>,
    return
  }
  func.func @transform_0(%arg0: i32, %arg1: i32) -> (i32, i32) {
    %c0_i32 = arith.constant 0 : i32
    %c0_i32_0 = arith.constant 0 : i32
    return %arg0, %c0_i32 : i32, i32
  }
  func.func @transform_1(%arg0: i32, %arg1: i32) -> (i32, i32) {
    %c0_i32 = arith.constant 0 : i32
    %c0_i32_0 = arith.constant 0 : i32
    return %c0_i32, %arg1 : i32, i32
  }
  func.func @transform_2(%arg0: i32, %arg1: i32) -> (i32, i32, i32) {
    %c0_i32 = arith.constant 0 : i32
    %c0_i32_0 = arith.constant 0 : i32
    %c0_i32_1 = arith.constant 0 : i32
    return %c0_i32, %arg0, %c0_i32_0 : i32, i32, i32
  }
  func.func @transform_3(%arg0: i32, %arg1: i32) -> (i32, i32, i32) {
    %c0_i32 = arith.constant 0 : i32
    %c0_i32_0 = arith.constant 0 : i32
    return %arg1, %arg0, %c0_i32 : i32, i32, i32
  }
}

module attributes {stable_mosaic.version = 14 : i64} {
  func.func @_tc2_body(%arg0: i32, %arg1: memref<4x1024x128xf32, #tpu.memory_space<vmem>>, %arg2: memref<2x1024x16xf32, #tpu.memory_space<vmem>>, %arg3: memref<512x512xf32, #tpu.memory_space<vmem>>, %arg4: memref<1x512xf32, #tpu.memory_space<vmem>>, %arg5: memref<4x1024x128xf32, #tpu.memory_space<vmem>>) attributes {dimension_semantics = [#tpu.dimension_semantics<arbitrary>], iteration_bounds = array<i64: 10>, scalar_prefetch = 0 : i64, scratch_operands = 0 : i64, tpu.core_type = #tpu.core_type<tc>, window_params = [{transform_indices = @transform_0, window_bounds = array<i64: 4, 1024, 128>}, {transform_indices = @transform_1, window_bounds = array<i64: 2, 1024, 16>}, {pipeline_mode = #tpu.pipeline_mode<synchronous>, transform_indices = @transform_2, window_bounds = array<i64: 512, 512>}, {pipeline_mode = #tpu.pipeline_mode<synchronous>, transform_indices = @transform_3, window_bounds = array<i64: 1, 512>}, {transform_indices = @transform_4, window_bounds = array<i64: 4, 1024, 128>}]} {
    %get3A = arith.constant 0 : index
    %get3A_0 = arith.constant 0 : index
    %get3A_1 = arith.constant 0 : index
    %get3A_2 = vector.load %arg2[%get3A, %get3A_0, %get3A_1] : memref<2x1024x16xf32, #tpu.memory_space<vmem>>, vector<2x1024x16xf32>
    %slice3A = vector.extract_strided_slice %get3A_2 {offsets = [0, 0, 0], sizes = [1, 1024, 1], strides = [1, 1, 1]} : vector<2x1024x16xf32> to vector<1x1024x1xf32>
    %squeeze3A = vector.shape_cast %slice3A : vector<1x1024x1xf32> to vector<1024x1xf32>
    %add3A = arith.constant 1.000000e+00 : f32
    %add3A_3 = vector.broadcast %add3A : f32 to vector<1024x1xf32>
    %add3A_4 = arith.addf %add3A_3, %squeeze3A : vector<1024x1xf32>
    %slice3A_5 = vector.extract_strided_slice %get3A_2 {offsets = [1, 0, 0], sizes = [1, 1024, 1], strides = [1, 1, 1]} : vector<2x1024x16xf32> to vector<1x1024x1xf32>
    %squeeze3A_6 = vector.shape_cast %slice3A_5 : vector<1x1024x1xf32> to vector<1024x1xf32>
    %add3A_7 = arith.addf %add3A_4, %squeeze3A_6 : vector<1024x1xf32>
    %rsqrt3A = math.rsqrt %add3A_7 : vector<1024x1xf32>
    %get3A_8 = arith.constant 0 : index
    %get3A_9 = arith.constant 0 : index
    %get3A_10 = arith.constant 0 : index
    %get3A_11 = vector.load %arg1[%get3A_8, %get3A_9, %get3A_10] : memref<4x1024x128xf32, #tpu.memory_space<vmem>>, vector<4x1024x128xf32>
    %slice3A_12 = vector.extract_strided_slice %get3A_11 {offsets = [0, 0, 0], sizes = [1, 1024, 128], strides = [1, 1, 1]} : vector<4x1024x128xf32> to vector<1x1024x128xf32>
    %squeeze3A_13 = vector.shape_cast %slice3A_12 : vector<1x1024x128xf32> to vector<1024x128xf32>
    %slice3A_14 = vector.extract_strided_slice %get3A_11 {offsets = [1, 0, 0], sizes = [1, 1024, 128], strides = [1, 1, 1]} : vector<4x1024x128xf32> to vector<1x1024x128xf32>
    %squeeze3A_15 = vector.shape_cast %slice3A_14 : vector<1x1024x128xf32> to vector<1024x128xf32>
    %slice3A_16 = vector.extract_strided_slice %get3A_11 {offsets = [2, 0, 0], sizes = [1, 1024, 128], strides = [1, 1, 1]} : vector<4x1024x128xf32> to vector<1x1024x128xf32>
    %squeeze3A_17 = vector.shape_cast %slice3A_16 : vector<1x1024x128xf32> to vector<1024x128xf32>
    %slice3A_18 = vector.extract_strided_slice %get3A_11 {offsets = [3, 0, 0], sizes = [1, 1024, 128], strides = [1, 1, 1]} : vector<4x1024x128xf32> to vector<1x1024x128xf32>
    %squeeze3A_19 = vector.shape_cast %slice3A_18 : vector<1x1024x128xf32> to vector<1024x128xf32>
    %concatenate3A = tpu.concatenate %squeeze3A_13, %squeeze3A_15, %squeeze3A_17, %squeeze3A_19 in 1 : vector<1024x128xf32>, vector<1024x128xf32>, vector<1024x128xf32>, vector<1024x128xf32> -> vector<1024x512xf32>
    %mul3A = vector.broadcast %rsqrt3A : vector<1024x1xf32> to vector<1024x512xf32>
    %mul3A_20 = arith.mulf %concatenate3A, %mul3A : vector<1024x512xf32>
    %get3A_21 = arith.constant 0 : index
    %get3A_22 = arith.constant 0 : index
    %get3A_23 = vector.load %arg4[%get3A_21, %get3A_22] : memref<1x512xf32, #tpu.memory_space<vmem>>, vector<1x512xf32>
    %add3A_24 = vector.broadcast %get3A_23 : vector<1x512xf32> to vector<1024x512xf32>
    %add3A_25 = arith.addf %mul3A_20, %add3A_24 : vector<1024x512xf32>
    %max3A = arith.constant 0.000000e+00 : f32
    %max3A_26 = vector.broadcast %max3A : f32 to vector<1024x512xf32>
    %max3A_27 = arith.maximumf %add3A_25, %max3A_26 : vector<1024x512xf32>
    %get3A_28 = arith.constant 0 : index
    %get3A_29 = arith.constant 0 : index
    %get3A_30 = vector.load %arg3[%get3A_28, %get3A_29] : memref<512x512xf32, #tpu.memory_space<vmem>>, vector<512x512xf32>
    %dot_general3A = arith.constant dense<0.000000e+00> : vector<1024x512xf32>
    %dot_general3A_31 = tpu.matmul %max3A_27, %get3A_30, %dot_general3A {dimension_numbers = #tpu.dot_dimension_numbers<[1], [0], [0], [1], [0, 0, 1, 1], [], []>, transpose_lhs_hint = false} : vector<1024x512xf32>, vector<512x512xf32>, vector<1024x512xf32> -> vector<1024x512xf32>
    %mul3A_32 = vector.broadcast %rsqrt3A : vector<1024x1xf32> to vector<1024x512xf32>
    %mul3A_33 = arith.mulf %dot_general3A_31, %mul3A_32 : vector<1024x512xf32>
    %slice3A_34 = vector.extract_strided_slice %mul3A_33 {offsets = [0, 0], sizes = [1024, 128], strides = [1, 1]} : vector<1024x512xf32> to vector<1024x128xf32>
    %swap3A = arith.constant 0 : index
    %swap3A_35 = arith.constant 0 : index
    %swap3A_36 = arith.constant 0 : index
    %swap3A_37 = vector.load %arg5[%swap3A, %swap3A_35, %swap3A_36] : memref<4x1024x128xf32, #tpu.memory_space<vmem>>, vector<1x1024x128xf32>
    %swap3A_38 = vector.shape_cast %swap3A_37 : vector<1x1024x128xf32> to vector<1024x128xf32>
    %swap3A_39 = vector.shape_cast %slice3A_34 : vector<1024x128xf32> to vector<1x1024x128xf32>
    tpu.vector_store %arg5[%swap3A, %swap3A_35, %swap3A_36], %swap3A_39 {strides = array<i32>} : memref<4x1024x128xf32, #tpu.memory_space<vmem>>, vector<1x1024x128xf32>,
    %slice3A_40 = vector.extract_strided_slice %mul3A_33 {offsets = [0, 128], sizes = [1024, 128], strides = [1, 1]} : vector<1024x512xf32> to vector<1024x128xf32>
    %swap3A_41 = arith.constant 1 : index
    %swap3A_42 = arith.constant 0 : index
    %swap3A_43 = arith.constant 0 : index
    %swap3A_44 = vector.load %arg5[%swap3A_41, %swap3A_42, %swap3A_43] : memref<4x1024x128xf32, #tpu.memory_space<vmem>>, vector<1x1024x128xf32>
    %swap3A_45 = vector.shape_cast %swap3A_44 : vector<1x1024x128xf32> to vector<1024x128xf32>
    %swap3A_46 = vector.shape_cast %slice3A_40 : vector<1024x128xf32> to vector<1x1024x128xf32>
    tpu.vector_store %arg5[%swap3A_41, %swap3A_42, %swap3A_43], %swap3A_46 {strides = array<i32>} : memref<4x1024x128xf32, #tpu.memory_space<vmem>>, vector<1x1024x128xf32>,
    %slice3A_47 = vector.extract_strided_slice %mul3A_33 {offsets = [0, 256], sizes = [1024, 128], strides = [1, 1]} : vector<1024x512xf32> to vector<1024x128xf32>
    %swap3A_48 = arith.constant 2 : index
    %swap3A_49 = arith.constant 0 : index
    %swap3A_50 = arith.constant 0 : index
    %swap3A_51 = vector.load %arg5[%swap3A_48, %swap3A_49, %swap3A_50] : memref<4x1024x128xf32, #tpu.memory_space<vmem>>, vector<1x1024x128xf32>
    %swap3A_52 = vector.shape_cast %swap3A_51 : vector<1x1024x128xf32> to vector<1024x128xf32>
    %swap3A_53 = vector.shape_cast %slice3A_47 : vector<1024x128xf32> to vector<1x1024x128xf32>
    tpu.vector_store %arg5[%swap3A_48, %swap3A_49, %swap3A_50], %swap3A_53 {strides = array<i32>} : memref<4x1024x128xf32, #tpu.memory_space<vmem>>, vector<1x1024x128xf32>,
    %slice3A_54 = vector.extract_strided_slice %mul3A_33 {offsets = [0, 384], sizes = [1024, 128], strides = [1, 1]} : vector<1024x512xf32> to vector<1024x128xf32>
    %swap3A_55 = arith.constant 3 : index
    %swap3A_56 = arith.constant 0 : index
    %swap3A_57 = arith.constant 0 : index
    %swap3A_58 = vector.load %arg5[%swap3A_55, %swap3A_56, %swap3A_57] : memref<4x1024x128xf32, #tpu.memory_space<vmem>>, vector<1x1024x128xf32>
    %swap3A_59 = vector.shape_cast %swap3A_58 : vector<1x1024x128xf32> to vector<1024x128xf32>
    %swap3A_60 = vector.shape_cast %slice3A_54 : vector<1024x128xf32> to vector<1x1024x128xf32>
    tpu.vector_store %arg5[%swap3A_55, %swap3A_56, %swap3A_57], %swap3A_60 {strides = array<i32>} : memref<4x1024x128xf32, #tpu.memory_space<vmem>>, vector<1x1024x128xf32>,
    return
  }
  func.func @transform_0(%arg0: i32) -> (i32, i32, i32) {
    %c0_i32 = arith.constant 0 : i32
    %c0_i32_0 = arith.constant 0 : i32
    %c0_i32_1 = arith.constant 0 : i32
    return %c0_i32, %arg0, %c0_i32_0 : i32, i32, i32
  }
  func.func @transform_1(%arg0: i32) -> (i32, i32, i32) {
    %c0_i32 = arith.constant 0 : i32
    %c0_i32_0 = arith.constant 0 : i32
    %c0_i32_1 = arith.constant 0 : i32
    return %c0_i32, %arg0, %c0_i32_0 : i32, i32, i32
  }
  func.func @transform_2(%arg0: i32) -> (i32, i32) {
    %c0_i32 = arith.constant 0 : i32
    %c0_i32_0 = arith.constant 0 : i32
    %c0_i32_1 = arith.constant 0 : i32
    return %c0_i32, %c0_i32_0 : i32, i32
  }
  func.func @transform_3(%arg0: i32) -> (i32, i32) {
    %c0_i32 = arith.constant 0 : i32
    %c0_i32_0 = arith.constant 0 : i32
    %c0_i32_1 = arith.constant 0 : i32
    return %c0_i32, %c0_i32_0 : i32, i32
  }
  func.func @transform_4(%arg0: i32) -> (i32, i32, i32) {
    %c0_i32 = arith.constant 0 : i32
    %c0_i32_0 = arith.constant 0 : i32
    %c0_i32_1 = arith.constant 0 : i32
    return %c0_i32, %arg0, %c0_i32_0 : i32, i32, i32
  }
}

module attributes {stable_mosaic.version = 14 : i64} {
  func.func @_tc3_body(%arg0: i32, %arg1: memref<4x1024x128xf32, #tpu.memory_space<vmem>>, %arg2: memref<2x1024x16xf32, #tpu.memory_space<vmem>>, %arg3: memref<1x512xf32, #tpu.memory_space<vmem>>, %arg4: memref<512x64xf32, #tpu.memory_space<vmem>>, %arg5: memref<1x64xf32, #tpu.memory_space<vmem>>, %arg6: memref<1024x64xf32, #tpu.memory_space<vmem>>) attributes {dimension_semantics = [#tpu.dimension_semantics<arbitrary>], iteration_bounds = array<i64: 10>, scalar_prefetch = 0 : i64, scratch_operands = 0 : i64, tpu.core_type = #tpu.core_type<tc>, window_params = [{transform_indices = @transform_0, window_bounds = array<i64: 4, 1024, 128>}, {transform_indices = @transform_1, window_bounds = array<i64: 2, 1024, 16>}, {pipeline_mode = #tpu.pipeline_mode<synchronous>, transform_indices = @transform_2, window_bounds = array<i64: 1, 512>}, {pipeline_mode = #tpu.pipeline_mode<synchronous>, transform_indices = @transform_3, window_bounds = array<i64: 512, 64>}, {pipeline_mode = #tpu.pipeline_mode<synchronous>, transform_indices = @transform_4, window_bounds = array<i64: 1, 64>}, {transform_indices = @transform_5, window_bounds = array<i64: 1024, 64>}]} {
    %get3A = arith.constant 0 : index
    %get3A_0 = arith.constant 0 : index
    %get3A_1 = arith.constant 0 : index
    %get3A_2 = vector.load %arg2[%get3A, %get3A_0, %get3A_1] : memref<2x1024x16xf32, #tpu.memory_space<vmem>>, vector<2x1024x16xf32>
    %slice3A = vector.extract_strided_slice %get3A_2 {offsets = [0, 0, 0], sizes = [1, 1024, 1], strides = [1, 1, 1]} : vector<2x1024x16xf32> to vector<1x1024x1xf32>
    %squeeze3A = vector.shape_cast %slice3A : vector<1x1024x1xf32> to vector<1024x1xf32>
    %add3A = arith.constant 1.000000e+00 : f32
    %add3A_3 = vector.broadcast %add3A : f32 to vector<1024x1xf32>
    %add3A_4 = arith.addf %add3A_3, %squeeze3A : vector<1024x1xf32>
    %slice3A_5 = vector.extract_strided_slice %get3A_2 {offsets = [1, 0, 0], sizes = [1, 1024, 1], strides = [1, 1, 1]} : vector<2x1024x16xf32> to vector<1x1024x1xf32>
    %squeeze3A_6 = vector.shape_cast %slice3A_5 : vector<1x1024x1xf32> to vector<1024x1xf32>
    %add3A_7 = arith.addf %add3A_4, %squeeze3A_6 : vector<1024x1xf32>
    %rsqrt3A = math.rsqrt %add3A_7 : vector<1024x1xf32>
    %get3A_8 = arith.constant 0 : index
    %get3A_9 = arith.constant 0 : index
    %get3A_10 = arith.constant 0 : index
    %get3A_11 = vector.load %arg1[%get3A_8, %get3A_9, %get3A_10] : memref<4x1024x128xf32, #tpu.memory_space<vmem>>, vector<4x1024x128xf32>
    %slice3A_12 = vector.extract_strided_slice %get3A_11 {offsets = [0, 0, 0], sizes = [1, 1024, 128], strides = [1, 1, 1]} : vector<4x1024x128xf32> to vector<1x1024x128xf32>
    %squeeze3A_13 = vector.shape_cast %slice3A_12 : vector<1x1024x128xf32> to vector<1024x128xf32>
    %slice3A_14 = vector.extract_strided_slice %get3A_11 {offsets = [1, 0, 0], sizes = [1, 1024, 128], strides = [1, 1, 1]} : vector<4x1024x128xf32> to vector<1x1024x128xf32>
    %squeeze3A_15 = vector.shape_cast %slice3A_14 : vector<1x1024x128xf32> to vector<1024x128xf32>
    %slice3A_16 = vector.extract_strided_slice %get3A_11 {offsets = [2, 0, 0], sizes = [1, 1024, 128], strides = [1, 1, 1]} : vector<4x1024x128xf32> to vector<1x1024x128xf32>
    %squeeze3A_17 = vector.shape_cast %slice3A_16 : vector<1x1024x128xf32> to vector<1024x128xf32>
    %slice3A_18 = vector.extract_strided_slice %get3A_11 {offsets = [3, 0, 0], sizes = [1, 1024, 128], strides = [1, 1, 1]} : vector<4x1024x128xf32> to vector<1x1024x128xf32>
    %squeeze3A_19 = vector.shape_cast %slice3A_18 : vector<1x1024x128xf32> to vector<1024x128xf32>
    %concatenate3A = tpu.concatenate %squeeze3A_13, %squeeze3A_15, %squeeze3A_17, %squeeze3A_19 in 1 : vector<1024x128xf32>, vector<1024x128xf32>, vector<1024x128xf32>, vector<1024x128xf32> -> vector<1024x512xf32>
    %mul3A = vector.broadcast %rsqrt3A : vector<1024x1xf32> to vector<1024x512xf32>
    %mul3A_20 = arith.mulf %concatenate3A, %mul3A : vector<1024x512xf32>
    %get3A_21 = arith.constant 0 : index
    %get3A_22 = arith.constant 0 : index
    %get3A_23 = vector.load %arg3[%get3A_21, %get3A_22] : memref<1x512xf32, #tpu.memory_space<vmem>>, vector<1x512xf32>
    %add3A_24 = vector.broadcast %get3A_23 : vector<1x512xf32> to vector<1024x512xf32>
    %add3A_25 = arith.addf %mul3A_20, %add3A_24 : vector<1024x512xf32>
    %max3A = arith.constant 0.000000e+00 : f32
    %max3A_26 = vector.broadcast %max3A : f32 to vector<1024x512xf32>
    %max3A_27 = arith.maximumf %add3A_25, %max3A_26 : vector<1024x512xf32>
    %get3A_28 = arith.constant 0 : index
    %get3A_29 = arith.constant 0 : index
    %get3A_30 = vector.load %arg4[%get3A_28, %get3A_29] : memref<512x64xf32, #tpu.memory_space<vmem>>, vector<512x64xf32>
    %dot_general3A = arith.constant dense<0.000000e+00> : vector<1024x64xf32>
    %dot_general3A_31 = tpu.matmul %max3A_27, %get3A_30, %dot_general3A {dimension_numbers = #tpu.dot_dimension_numbers<[1], [0], [0], [1], [0, 0, 1, 1], [], []>, transpose_lhs_hint = false} : vector<1024x512xf32>, vector<512x64xf32>, vector<1024x64xf32> -> vector<1024x64xf32>
    %get3A_32 = arith.constant 0 : index
    %get3A_33 = arith.constant 0 : index
    %get3A_34 = vector.load %arg5[%get3A_32, %get3A_33] : memref<1x64xf32, #tpu.memory_space<vmem>>, vector<1x64xf32>
    %add3A_35 = vector.broadcast %get3A_34 : vector<1x64xf32> to vector<1024x64xf32>
    %add3A_36 = arith.addf %dot_general3A_31, %add3A_35 : vector<1024x64xf32>
    %reduce_max3A = arith.constant dense<0xFF800000> : vector<1024xf32>
    %reduce_max3A_37 = vector.multi_reduction <maximumf>, %add3A_36, %reduce_max3A [1] : vector<1024x64xf32> to vector<1024xf32>
    %broadcast_in_dim3A = vector.shape_cast %reduce_max3A_37 : vector<1024xf32> to vector<1024x1xf32>
    %sub3A = vector.broadcast %broadcast_in_dim3A : vector<1024x1xf32> to vector<1024x64xf32>
    %sub3A_38 = arith.subf %add3A_36, %sub3A : vector<1024x64xf32>
    %exp3A = math.exp %sub3A_38 : vector<1024x64xf32>
    %reduce_sum3A = arith.constant dense<0.000000e+00> : vector<1024xf32>
    %reduce_sum3A_39 = vector.multi_reduction <add>, %exp3A, %reduce_sum3A [1] : vector<1024x64xf32> to vector<1024xf32>
    %broadcast_in_dim3A_40 = vector.shape_cast %reduce_sum3A_39 : vector<1024xf32> to vector<1024x1xf32>
    %log3A = math.log %broadcast_in_dim3A_40 : vector<1024x1xf32>
    %add3A_41 = arith.addf %log3A, %broadcast_in_dim3A : vector<1024x1xf32>
    %sub3A_42 = vector.broadcast %add3A_41 : vector<1024x1xf32> to vector<1024x64xf32>
    %sub3A_43 = arith.subf %add3A_36, %sub3A_42 : vector<1024x64xf32>
    %swap3A = arith.constant 0 : index
    %swap3A_44 = arith.constant 0 : index
    %swap3A_45 = vector.load %arg6[%swap3A, %swap3A_44] : memref<1024x64xf32, #tpu.memory_space<vmem>>, vector<1024x64xf32>
    tpu.vector_store %arg6[%swap3A, %swap3A_44], %sub3A_43 {strides = array<i32>} : memref<1024x64xf32, #tpu.memory_space<vmem>>, vector<1024x64xf32>,
    return
  }
  func.func @transform_0(%arg0: i32) -> (i32, i32, i32) {
    %c0_i32 = arith.constant 0 : i32
    %c0_i32_0 = arith.constant 0 : i32
    %c0_i32_1 = arith.constant 0 : i32
    return %c0_i32, %arg0, %c0_i32_0 : i32, i32, i32
  }
  func.func @transform_1(%arg0: i32) -> (i32, i32, i32) {
    %c0_i32 = arith.constant 0 : i32
    %c0_i32_0 = arith.constant 0 : i32
    %c0_i32_1 = arith.constant 0 : i32
    return %c0_i32, %arg0, %c0_i32_0 : i32, i32, i32
  }
  func.func @transform_2(%arg0: i32) -> (i32, i32) {
    %c0_i32 = arith.constant 0 : i32
    %c0_i32_0 = arith.constant 0 : i32
    %c0_i32_1 = arith.constant 0 : i32
    return %c0_i32, %c0_i32_0 : i32, i32
  }
  func.func @transform_3(%arg0: i32) -> (i32, i32) {
    %c0_i32 = arith.constant 0 : i32
    %c0_i32_0 = arith.constant 0 : i32
    %c0_i32_1 = arith.constant 0 : i32
    return %c0_i32, %c0_i32_0 : i32, i32
  }
  func.func @transform_4(%arg0: i32) -> (i32, i32) {
    %c0_i32 = arith.constant 0 : i32
    %c0_i32_0 = arith.constant 0 : i32
    %c0_i32_1 = arith.constant 0 : i32
    return %c0_i32, %c0_i32_0 : i32, i32
  }
  func.func @transform_5(%arg0: i32) -> (i32, i32) {
    %c0_i32 = arith.constant 0 : i32
    %c0_i32_0 = arith.constant 0 : i32
    return %arg0, %c0_i32 : i32, i32
  }
}

</mosaic_0001>

<sc_bundles>
// kernel: kernel.11.cloned.1.call-start
scs
__scs_entry_jumppad:
0x0: {  	(pc) =	sbr.rel $0x88, $3  }
0x1: {  	(tag) =	ssettag $0x0;
	lr =	simm.s32 $0x1  }
0x2: {  	[smem:$0x3F99] =	sst lr;
	_ =	strace $0xD0000000  }
0x3: {  	_ = 	snop  }
0x4: {  	_ = 	snop  }
0x5: {  	_ = 	snop  }
0x6: {  	_ = 	snop  }
0x7: {  	_ = 	snop  }
__scs_overlays_trampoline_lowered:
0x8: {  	[smem:$0x3FA8] =	sst s0  }
0x9: {  	[smem:$0x3FA9] =	sst s1  }
0xa: {  	[smem:$0x3FAA] =	sst s2  }
0xb: {  	[smem:$0x3FAB] =	sst s3  }
0xc: {  	[smem:$0x3FAC] =	sst s4  }
0xd: {  	[smem:$0x3FAD] =	sst s5  }
0xe: {  	[smem:$0x3FAE] =	sst s6  }
0xf: {  	[smem:$0x3FAF] =	sst s7  }
0x10: {  	[smem:$0x3FB0] =	sst s8  }
0x11: {  	[smem:$0x3FB1] =	sst s9;
	s0 =	simm.s32 @!p0 $0x0  }
0x12: {  	s1 =	sld [smem:$0x3F97];
	s0 =	simm.s32 @p0 $0x1  }
0x13: {  	[smem:$0x3FB2] =	sst s0;
	s0 =	simm.s32 @!p1 $0x0  }
0x14: {  	s2 =	sld [smem:$0x3F96];
	s0 =	simm.s32 @p1 $0x1  }
0x15: {  	[smem:$0x3FB3] =	sst s0;
	s0 =	simm.s32 @!p2 $0x0  }
0x16: {  	s3 =	sld [smem:$0x3FDB];
	s0 =	simm.s32 @p2 $0x1  }
0x17: {  	s4 =	simm.s32 $0x1BF5;
	[smem:$0x3FB5] =	sst s0  }
0x18: {  	s0 =	sld [smem:$0x3F98];
	_ =	swait.ge [sflag:s4], $0x0  }
0x19: {  	s7 =	sld [smem:$0x3F99]  }
0x1a: {  	s8 =	sadd.s32 $0xFFFFE003, lr  }
0x1b: {  	s9 =	sadd.s32 $0xFFFFFEF7, lr;
	s5 =	simm.s32 $0xFFFFFFFF;
	p2 =	slt.u32 s8, $0xFFFFF086  }
0x1c: {  	p1 =	slt.u32 s9, $0xF7A;
	s5 =	simm.s32 @!p2 $0x0  }
0x1d: {  	s5 =	simm.s32 @p1 $0x1;
	p0 =	seq.s32 s7, s2  }
0x1e: {  	s7 =	smul.u32 @!p0 $0xF7A, s2;
	p2 =	seq.s32 @!p0 s5, $0x0  }
0x1f: {  	s9 =	smul.u32 $0xF7A, s1;
	s8 =	simm.s32 @!p0 $0x1BF5;
	p2 =	por !p2, p0  }
0x20: {  	[sflag:s8] =	ssyncset.s32 @!p0 $0xFFFFF086;
	s6 =	sadd.s32 @!p0 s3, s7;
	s7 =	simm.s32 @!p0 $0x108  }
0x21: {  	s3 =	sadd.s32 s3, s9;
	s6 =	sadd.s32 @!p0 $0x88, s6;
	s7 =	simm.s32 @p2 $0x1082  }
0x22: {  	[simem:s7], [sflag:s8] =	dma.local @!p0 [hbm:s6], $0xF7A  }
0x23: {  	s9 =	sor.u32 $0xD0000000, s2;
	s6 =	simm.s32 $0x108;
	_ =	swait.ge @!p0 [sflag:s8], $0x0  }
0x24: {  	s3 =	sadd.s32 $0x88, s3;
	s6 =	simm.s32 @!p1 $0x1082;
	[sflag:s4] =	ssyncset.s32 $0xFFFFF086  }
0x25: {  	[simem:s6], [sflag:s4] =	dma.local [hbm:s3], $0xF7A  }
0x26: {  	[smem:$0x3F99] =	sst s1;
	(tag) =	ssettag s2;
	_ =	strace s9  }
0x27: {  	s1 =	sld [smem:$0x3FA9]  }
0x28: {  	s2 =	sld [smem:$0x3FAA]  }
0x29: {  	s4 =	sld [smem:$0x3FAC]  }
0x2a: {  	p0 =	seq.s32 s5, $0x0;
	s5 =	sld [smem:$0x3FAD]  }
0x2b: {  	s6 =	sld [smem:$0x3FAE]  }
0x2c: {  	s7 =	sld [smem:$0x3FAF]  }
0x2d: {  	s3 =	simm.s32 $0x108;
	s8 =	sld [smem:$0x3FB0]  }
0x2e: {  	s3 =	simm.s32 @!p0 $0x1082;
	s9 =	sld [smem:$0x3FB1]  }
0x2f: {  	lr =	sadd.s32 s0, s3;
	s0 =	sld [smem:$0x3FA8]  }
0x30: {  	s3 =	sld [smem:$0x3FAB]  }
0x31: {  	[smem:$0x3FB4] =	sst s10  }
0x32: {  	s10 =	sld [smem:$0x3FB2];
	_ =	sdelay $0x3  }
0x33: {  	p0 =	seq.s32 s10, $0x1;
	s10 =	sld [smem:$0x3FB4];
	_ =	sdelay $0x3  }
0x34: {  	[smem:$0x3FB4] =	sst s10  }
0x35: {  	s10 =	sld [smem:$0x3FB3];
	_ =	sdelay $0x3  }
0x36: {  	p1 =	seq.s32 s10, $0x1;
	s10 =	sld [smem:$0x3FB4];
	_ =	sdelay $0x3  }
0x37: {  	[smem:$0x3FB4] =	sst s10  }
0x38: {  	s10 =	sld [smem:$0x3FB5]  }
0x39: {  	_ = 	snop;
	(pc) =	sbr.ind lr, $3  }
0x3a: {  	_ = 	snop  }
0x3b: {  	_ = 	snop  }
0x3c: {  	p2 =	seq.s32 s10, $0x1;
	s10 =	sld [smem:$0x3FB4]  }
0x3d: {  	_ =	shalt  }
0x3e: {  	_ =	shalt  }
0x3f: {  	_ =	shalt  }
0x40: {  	_ =	shalt  }
0x41: {  	_ =	shalt  }
0x42: {  	_ =	shalt  }
0x43: {  	_ =	shalt  }
0x44: {  	_ =	shalt  }
0x45: {  	_ =	shalt  }
0x46: {  	_ =	shalt  }
0x47: {  	_ =	shalt  }
0x48: {  	_ =	shalt  }
0x49: {  	_ =	shalt  }
0x4a: {  	_ =	shalt  }
0x4b: {  	_ =	shalt  }
0x4c: {  	_ =	shalt  }
0x4d: {  	_ =	shalt  }
0x4e: {  	_ =	shalt  }
0x4f: {  	_ =	shalt  }
0x50: {  	_ =	shalt  }
0x51: {  	_ =	shalt  }
0x52: {  	_ =	shalt  }
0x53: {  	_ =	shalt  }
0x54: {  	_ =	shalt  }
0x55: {  	_ =	shalt  }
0x56: {  	_ =	shalt  }
0x57: {  	_ =	shalt  }
0x58: {  	_ =	shalt  }
0x59: {  	_ =	shalt  }
0x5a: {  	_ =	shalt  }
0x5b: {  	_ =	shalt  }
0x5c: {  	_ =	shalt  }
0x5d: {  	_ =	shalt  }
0x5e: {  	_ =	shalt  }
0x5f: {  	_ =	shalt  }
0x60: {  	_ =	shalt  }
0x61: {  	_ =	shalt  }
0x62: {  	_ =	shalt  }
0x63: {  	_ =	shalt  }
0x64: {  	_ =	shalt  }
0x65: {  	_ =	shalt  }
0x66: {  	_ =	shalt  }
0x67: {  	_ =	shalt  }
0x68: {  	_ =	shalt  }
0x69: {  	_ =	shalt  }
0x6a: {  	_ =	shalt  }
0x6b: {  	_ =	shalt  }
0x6c: {  	_ =	shalt  }
0x6d: {  	_ =	shalt  }
0x6e: {  	_ =	shalt  }
0x6f: {  	_ =	shalt  }
0x70: {  	_ =	shalt  }
0x71: {  	_ =	shalt  }
0x72: {  	_ =	shalt  }
0x73: {  	_ =	shalt  }
0x74: {  	_ =	shalt  }
0x75: {  	_ =	shalt  }
0x76: {  	_ =	shalt  }
0x77: {  	_ =	shalt  }
0x78: {  	_ =	shalt  }
0x79: {  	_ =	shalt  }
0x7a: {  	_ =	shalt  }
0x7b: {  	_ =	shalt  }
0x7c: {  	_ =	shalt  }
0x7d: {  	_ =	shalt  }
0x7e: {  	_ =	shalt  }
0x7f: {  	_ =	shalt  }
0x80: {  	_ =	shalt  }
0x81: {  	_ =	shalt  }
0x82: {  	_ =	shalt  }
0x83: {  	_ =	shalt  }
0x84: {  	_ =	shalt  }
0x85: {  	_ =	shalt  }
0x86: {  	_ =	shalt  }
0x87: {  	_ =	shalt  }
.Lfunc_end0:
.L_simem_size_0:
called_computation.1_lowered:
.L_overlay_start_0:
0x88: {  	s2 =	sld [smem:$0x3FD9]  }
0x89: {  	s3 =	sld [smem:$0x3FFE];
	_ =	sdelay $0x1  }
0x8a: {  	s1 =	srdreg.scid  }
0x8b: {  	s0 =	sand.u32 $0x1, s1  }
0x8c: {  	s17 =	sshll.u32 s0, $0xA;
	s2 =	sadd.s32 s3, s2  }
0x8d: {  	s2 =	sadd.s32 s2, s17  }
0x8e: {  	[smem:$0x3FC0] =	sst s2  }
0x8f: {  	_ = 	snop  }
0x90: {  	s2 =	sld [smem:$0x3FD0];
	(tm) =	ssettm $0x1  }
0x91: {  	s18 =	sld [smem:$0x3FFB];
	_ =	sdelay $0x3  }
0x92: {  	_ =	strace s18  }
0x93: {  	s3 =	sld [smem:$0x3FFC];
	_ =	sdelay $0x3  }
0x94: {  	_ =	strace s3  }
0x95: {  	s3 =	sld [smem:$0x3FFD];
	_ =	sdelay $0x3  }
0x96: {  	_ =	strace s3  }
0x97: {  	_ =	strace $0x8FFFFFFF  }
0x98: {  	s19 =	sld [smem:$0x3FDB];
	_ =	sdelay $0x1  }
0x99: {  	s4 =	simm.s32 $_scs_section_size  }
0x9a: {  	s5 =	simm.s32 $_size__tile_overlayer_lowered;
	s6 =	simm.s32 $_tile_overlayer_lowered  }
0x9b: {  	s22 =	simm.s32 $0x1BFF;
	s21 =	sshll.u32 s6, $0x1;
	s3 =	sadd.s32 s4, s19  }
0x9c: {  	s7 =	simm.s32 $0x0;
	s20 =	sshll.u32 s5, $0x1;
	s5 =	sadd.s32 s21, s3  }
0x9d: {  	[timem:s7], [sflag:s22] =	dma.local [hbm:s5], s20  }
0x9e: {  	_ =	swait.ge [sflag:s22], s20  }
0x9f: {  	s4 =	ssub.s32 $0x0, s20;
	[sflag:s22] =	ssyncset.done $0x0  }
0xa0: {  	[sflag:s22] =	ssyncadd.s32 s4;
	_ =	sdelay $0x1  }
0xa1: {  	s23 =	simm.s32 $0x1B8B  }
0xa2: {  	_ =	swait.ge [sflag:s23], $0x1  }
0xa3: {  	[sflag:s23] =	ssyncset.done $0x0  }
0xa4: {  	s25 =	simm.s32 $0x1B8E;
	s24 =	sld [smem:$0x3FFE];
	[sflag:s23] =	ssyncadd.s32 $0xFFFFFFFF  }
0xa5: {  	s26 =	simm.s32 $execute0_lowered;
	[smem:$0x3FD2] =	sst s25  }
0xa6: {  	s5 =	sshll.u32 s26, $0x1;
	_ =	strace $0x80000049;
	[dreg:$0x1] =	wrdreg $0xFFFFFFFF  }
0xa7: {  	s28 =	simm.s32 $_size_execute0_lowered;
	s3 =	sadd.s32 s3, s5;
	[dreg:$0x0] =	wrdreg $0x0  }
0xa8: {  	s5 =	sshll.u32 s28, $0x1;
	[dreg:$0x2] =	wrdreg s3  }
0xa9: {  	[dreg:$0x3] =	wrdreg s5  }
0xaa: {  	[dreg:$0x4] =	wrdreg $0xC0  }
0xab: {  	_ =	task [dreg:s7], $0x5FFFF  }
0xac: {  	[dreg:$0x1] =	wrdreg $0xFFFFFFFF  }
0xad: {  	[dreg:$0x0] =	wrdreg $0x60  }
0xae: {  	[dreg:$0x2] =	wrdreg s24  }
0xaf: {  	[dreg:$0x3] =	wrdreg s2  }
0xb0: {  	[dreg:$0x4] =	wrdreg $0x90800  }
0xb1: {  	[dreg:$0x5] =	wrdreg $0x9  }
0xb2: {  	_ =	task.clear_ibuf [dreg:s7], $0x6FFFF;
	_ =	strace $0x90000049  }
0xb3: {  	s29 =	simm.s32 $0x9;
	_ =	strace $0x8000004B  }
0xb4: {  	_ =	swait.ge [sflag:s29], $0x1  }
0xb5: {  	[sflag:s29] =	ssyncadd.s32 $0xFFFFFFFF  }
0xb6: {  	_ =	strace $0x9000004B  }
0xb7: {  	_ =	sfence  }
0xb8: {  	s30 =	sld [smem:$0x0];
	_ =	sdelay $0x2  }
0xb9: {  	s31 =	sshll.u32 s1, $0xD;
	s1 =	sshrl.u32 s1, $0x2  }
0xba: {  	s3 =	sand.u32 $0x4000, s31;
	s1 =	sadd.s32 s1, s30  }
0xbb: {  	s0 =	sor.u32 s3, s0;
	s1 =	sshll.u32 s1, $0x11  }
0xbc: {  	s0 =	sor.u32 s1, s0  }
0xbd: {  	s0 =	sadd.s32 $0x8F2B, s0  }
0xbe: {  	[sflag:s0] =	ssyncadd.remote.s32 $0x1  }
0xbf: {  	_ =	sfence.sel $0xFFFF  }
0xc0: {  	[dreg:$0x0] =	wrdreg $0xFFFFFFFF;
	(pc) =	sbr.abs _section_cstart, $3  }
0xc1: {  	[dreg:$0x1] =	wrdreg $0xFFFFFFFF  }
0xc2: {  	_ =	task.clear_ibuf [dreg:s7], $0x2FFFF;
	_ =	strace $0x9FFFFFFF  }
0xc3: {  	(tm) =	ssettm $0x7FFFFFFF  }
tec
execute0_lowered:
.L_overlay_start_1:
0x0: {  	(tag) =	ssettag $0x1  }
0x1: {  	s5 =	rddreg [dreg:$0x0]  }
0x2: {  	s6 =	rddreg [dreg:$0x1]  }
0x3: {  	s2 =	rddreg [dreg:$0x2]  }
0x4: {  	s0 =	rddreg [dreg:$0x3];
	s1 =	stileid.u32  }
0x5: {  	s3 =	simm.s32 $0x0;
	s4 =	srdreg.scid;
	s7 =	smul.u32 $0x500, s1  }
0x6: {  	[smem:$0x7FF] =	sst s3;
	s11 =	smul.u32 $0x280, s1  }
0x7: {  	s8 =	sand.u32 $0x1, s4;
	s4 =	sadd.s32 $0x59E00, s5;
	s13 =	smul.u32 $0x50000, s1  }
0x8: {  	s12 =	sadd.s32 $0xF9E00, s5;
	s17 =	smul.u32 $0x14000, s1;
	s31 =	sshll.u32 s1, $0x6  }
0x9: {  	_ =	strace $0x8000004A;
	s18 =	smul.u32 $0x5000, s8;
	s10 =	ssub.s32 $0x2, s8  }
0xa: {  	s20 =	smul.u32 $0x280000, s8;
	s21 =	sshllo.u32 s8, $0x1;
	s9 =	sadd.s32 s7, s5  }
0xb: {  	s16 =	sshrl.u32 s10, $0x1;
	s6 =	sadd.s32 s6, s7;
	s19 =	smul.u32 $0x2800, s21  }
0xc: {  	s22 =	sshrl.u32 s13, $0x2;
	s25 =	smul.u32 $0x140000, s21;
	s13 =	simm.s32 $0x2800  }
0xd: {  	s14 =	ssub.s32 s10, s16;
	s5 =	sadd.s32 $0x54E00, s9;
	s23 =	sadd.s32 s11, s18  }
0xe: {  	s15 =	sadd.s32 s22, s2;
	s26 =	sadd.s32 s17, s20;
	s16 =	simm.s32 $0x80  }
0xf: {  	v0 =	vmov s18;
	s18 =	simm.s32 $0x5080;
	s20 =	simm.s32 $0x0;
	s24 =	sshll.u32 s23, $0x4  }
0x10: {  	s28 =	sadd.s32 s11, s19;
	s8 =	sshrl.u32 s26, $0x3;
	s29 =	sadd.s32 s17, s25  }
0x11: {  	s11 =	smax.u32 s14, $0x1;
	s14 =	sor.u32 $0x1C02, s31;
	s15 =	sshrl.u32 s15, $0x3  }
0x12: {  	s17 =	simm.s32 $0x5000;
	v1 =	vmov s19;
	s19 =	simm.s32 $0x1;
	s7 =	sadd.s32 s4, s24  }
0x13: {  	s10 =	sshll.u32 s28, $0x4;
	s8 =	sadd.s32 s12, s8;
	s30 =	sshrl.u32 s29, $0x3  }
0x14: {  	s9 =	sadd.s32 s4, s10;
	s10 =	sadd.s32 s12, s30;
	s12 =	simm.s32 $0x2  }
.LBB2_1:
0x15: {  	[tilespmem:s3], [sflag:$0x2] =	stream.linear.gather [hbm4b:s5+s3], $0x2800, $0x38;
	[tilespmem:$0x1D080] =	vst v63  }
0x16: {  	_ =	swait.ge [sflag:s12], $0x2800  }
0x17: {  	[sflag:s12] =	ssyncset.done $0x0  }
0x18: {  	[sflag:s12] =	ssyncadd.s32 $0xFFFFD800  }
0x19: {  	[tilespmem:s13], [sflag:$0x2] =	stream.linear.gather [hbm4b:s6+s3], $0x2800, $0x38;
	[tilespmem:$0x1D080] =	vst v63  }
0x1a: {  	_ =	swait.ge [sflag:s12], $0x2800  }
0x1b: {  	[sflag:s12] =	ssyncset.done $0x0  }
0x1c: {  	[sflag:s12] =	ssyncadd.s32 $0xFFFFD800  }
0x1d: {  	[spmem:s15], [sflag:s14] =	dma.local [hbm:s7], $0x2800  }
0x1e: {  	_ =	swait.ge [sflag:s12], $0x2800  }
0x1f: {  	[sflag:s12] =	ssyncset.done $0x0  }
0x20: {  	[sflag:s12] =	ssyncadd.s32 $0xFFFFD800  }
0x21: {  	s21 =	simm.s32 $0x0;
	[bflag:$0x0] =	sbarrier.arrive $0xFFFF  }
0x22: {  	v2 =	vld [tilespmem:s21+$0x0];
	_ =	sdelay $0x4  }
0x23: {  	v2 =	vadd.s32 v0, v2  }
0x24: {  	[tilespmem:$0x5000] =	vst v2  }
0x25: {  	v2 =	vld [tilespmem:s21+$0x10];
	_ =	sdelay $0x4  }
0x26: {  	v2 =	vadd.s32 v0, v2  }
0x27: {  	[tilespmem:$0x5010] =	vst v2  }
0x28: {  	v2 =	vld [tilespmem:s21+$0x20];
	_ =	sdelay $0x4  }
0x29: {  	v2 =	vadd.s32 v0, v2  }
0x2a: {  	[tilespmem:$0x5020] =	vst v2  }
0x2b: {  	v2 =	vld [tilespmem:s21+$0x30];
	_ =	sdelay $0x4  }
0x2c: {  	v2 =	vadd.s32 v0, v2  }
0x2d: {  	[tilespmem:$0x5030] =	vst v2  }
0x2e: {  	v2 =	vld [tilespmem:s21+$0x40];
	_ =	sdelay $0x4  }
0x2f: {  	v2 =	vadd.s32 v0, v2  }
0x30: {  	[tilespmem:$0x5040] =	vst v2  }
0x31: {  	v2 =	vld [tilespmem:s21+$0x50];
	_ =	sdelay $0x4  }
0x32: {  	v2 =	vadd.s32 v0, v2  }
0x33: {  	[tilespmem:$0x5050] =	vst v2  }
0x34: {  	v2 =	vld [tilespmem:s21+$0x60];
	_ =	sdelay $0x4  }
0x35: {  	v2 =	vadd.s32 v0, v2  }
0x36: {  	[tilespmem:$0x5060] =	vst v2  }
0x37: {  	v2 =	vld [tilespmem:s21+$0x70];
	_ =	sdelay $0x4  }
0x38: {  	v2 =	vadd.s32 v0, v2  }
0x39: {  	[tilespmem:$0x5070] =	vst v2  }
0x3a: {  	[tilespmem:s18], [sflag:$0x1] =	stream.indirect.gather [hbm4b:s4+s16], $0x80, s17, s16, $0xb8;
	[tilespmem:$0x1D080] =	vst v63  }
0x3b: {  	_ =	swait.ge [sflag:s19], $0x4000  }
0x3c: {  	[sflag:s19] =	ssyncset.done $0x0  }
0x3d: {  	s31 =	simm.s32 $0x2800;
	[sflag:s19] =	ssyncadd.s32 $0xFFFFC000  }
0x3e: {  	[spmem:s2] =	stream.indirect.scatter.add.f32 [tilespmem:s18], [sflag:$0x2], $0x80, s31, s16, $0xb8;
	[tilespmem:$0x1D080] =	vst v63  }
0x3f: {  	_ =	swait.ge [sflag:s12], $0x4000  }
0x40: {  	s24 =	simm.s32 $0x400;
	s21 =	simm.s32 $0x200;
	[sflag:s12] =	ssyncset.done $0x0  }
.LBB2_2:
0x41: {  	s23 =	sshra.s32 s21, $0x2  }
0x42: {  	[sflag:s12] =	ssyncadd.s32 $0xFFFFC000;
	s21 =	smov.u32 s24;
	s22 =	sadd.s32 $0x200, s24  }
0x43: {  	p0 =	sne.s32 s24, $0x9E00;
	v2 =	vld [tilespmem:s23+$0x0];
	_ =	sdelay $0x4  }
0x44: {  	v2 =	vadd.s32 v0, v2  }
0x45: {  	[tilespmem:$0x5000] =	vst v2  }
0x46: {  	v2 =	vld [tilespmem:s23+$0x10];
	_ =	sdelay $0x4  }
0x47: {  	v2 =	vadd.s32 v0, v2  }
0x48: {  	[tilespmem:$0x5010] =	vst v2  }
0x49: {  	v2 =	vld [tilespmem:s23+$0x20];
	_ =	sdelay $0x4  }
0x4a: {  	v2 =	vadd.s32 v0, v2  }
0x4b: {  	[tilespmem:$0x5020] =	vst v2  }
0x4c: {  	v2 =	vld [tilespmem:s23+$0x30];
	_ =	sdelay $0x4  }
0x4d: {  	v2 =	vadd.s32 v0, v2  }
0x4e: {  	[tilespmem:$0x5030] =	vst v2  }
0x4f: {  	v2 =	vld [tilespmem:s23+$0x40];
	_ =	sdelay $0x4  }
0x50: {  	v2 =	vadd.s32 v0, v2  }
0x51: {  	[tilespmem:$0x5040] =	vst v2  }
0x52: {  	v2 =	vld [tilespmem:s23+$0x50];
	_ =	sdelay $0x4  }
0x53: {  	v2 =	vadd.s32 v0, v2  }
0x54: {  	[tilespmem:$0x5050] =	vst v2  }
0x55: {  	v2 =	vld [tilespmem:s23+$0x60];
	_ =	sdelay $0x4  }
0x56: {  	v2 =	vadd.s32 v0, v2  }
0x57: {  	[tilespmem:$0x5060] =	vst v2  }
0x58: {  	v2 =	vld [tilespmem:s23+$0x70];
	_ =	sdelay $0x4  }
0x59: {  	v2 =	vadd.s32 v0, v2  }
0x5a: {  	[tilespmem:$0x5070] =	vst v2  }
0x5b: {  	[tilespmem:s18], [sflag:$0x1] =	stream.indirect.gather [hbm4b:s4+s16], $0x80, s17, s16, $0xb8;
	[tilespmem:$0x1D080] =	vst v63  }
0x5c: {  	_ =	swait.ge [sflag:s19], $0x4000  }
.Ltmp0:
0x5d: {  	[sflag:s19] =	ssyncset.done $0x0;
	(pc) =	sbr.rel @p0 .LBB2_2-.Ltmp0, $4  }
0x5e: {  	s23 =	sadd.s32 $0x2800, s23;
	[sflag:s19] =	ssyncadd.s32 $0xFFFFC000  }
0x5f: {  	[spmem:s2] =	stream.indirect.scatter.add.f32 [tilespmem:s18], [sflag:$0x2], $0x80, s23, s16, $0xb8;
	[tilespmem:$0x1D080] =	vst v63  }
0x60: {  	_ =	swait.ge [sflag:s12], $0x4000  }
0x61: {  	s24 =	smov.u32 s22;
	[sflag:s12] =	ssyncset.done $0x0  }
0x62: {  	s21 =	sshra.s32 s21, $0x2;
	[sflag:s12] =	ssyncadd.s32 $0xFFFFC000  }
0x63: {  	v2 =	vld [tilespmem:s21+$0x0];
	_ =	sdelay $0x4  }
0x64: {  	v2 =	vadd.s32 v0, v2  }
0x65: {  	[tilespmem:$0x5000] =	vst v2  }
0x66: {  	v2 =	vld [tilespmem:s21+$0x10];
	_ =	sdelay $0x4  }
0x67: {  	v2 =	vadd.s32 v0, v2  }
0x68: {  	[tilespmem:$0x5010] =	vst v2  }
0x69: {  	v2 =	vld [tilespmem:s21+$0x20];
	_ =	sdelay $0x4  }
0x6a: {  	v2 =	vadd.s32 v0, v2  }
0x6b: {  	[tilespmem:$0x5020] =	vst v2  }
0x6c: {  	v2 =	vld [tilespmem:s21+$0x30];
	_ =	sdelay $0x4  }
0x6d: {  	v2 =	vadd.s32 v0, v2  }
0x6e: {  	[tilespmem:$0x5030] =	vst v2  }
0x6f: {  	v2 =	vld [tilespmem:s21+$0x40];
	_ =	sdelay $0x4  }
0x70: {  	v2 =	vadd.s32 v0, v2  }
0x71: {  	[tilespmem:$0x5040] =	vst v2  }
0x72: {  	v2 =	vld [tilespmem:s21+$0x50];
	_ =	sdelay $0x4  }
0x73: {  	v2 =	vadd.s32 v0, v2  }
0x74: {  	[tilespmem:$0x5050] =	vst v2  }
0x75: {  	v2 =	vld [tilespmem:s21+$0x60];
	_ =	sdelay $0x4  }
0x76: {  	v2 =	vadd.s32 v0, v2  }
0x77: {  	[tilespmem:$0x5060] =	vst v2  }
0x78: {  	v2 =	vld [tilespmem:s21+$0x70];
	_ =	sdelay $0x4  }
0x79: {  	v2 =	vadd.s32 v0, v2  }
0x7a: {  	[tilespmem:$0x5070] =	vst v2  }
0x7b: {  	[tilespmem:s18], [sflag:$0x1] =	stream.indirect.gather [hbm4b:s4+s16], $0x80, s17, s16, $0xb8;
	[tilespmem:$0x1D080] =	vst v63  }
0x7c: {  	_ =	swait.ge [sflag:s19], $0x4000  }
0x7d: {  	[sflag:s19] =	ssyncset.done $0x0  }
0x7e: {  	s21 =	sadd.s32 $0x2800, s21;
	[sflag:s19] =	ssyncadd.s32 $0xFFFFC000  }
0x7f: {  	[spmem:s2] =	stream.indirect.scatter.add.f32 [tilespmem:s18], [sflag:$0x2], $0x80, s21, s16, $0xb8;
	[tilespmem:$0x1D080] =	vst v63  }
0x80: {  	_ =	swait.ge [sflag:s12], $0x4000  }
0x81: {  	[sflag:s12] =	ssyncset.done $0x0  }
0x82: {  	[sflag:s12] =	ssyncadd.s32 $0xFFFFC000  }
0x83: {  	[bflag:$0x0] =	sbarrier.arrive $0xFFFF  }
0x84: {  	[hbm:s8], [sflag:s14] =	dma.local [spmem:s15], $0x2800  }
0x85: {  	_ =	swait.ge [sflag:s12], $0x2800  }
0x86: {  	[sflag:s12] =	ssyncset.done $0x0  }
0x87: {  	[sflag:s12] =	ssyncadd.s32 $0xFFFFD800  }
0x88: {  	[spmem:s15], [sflag:s14] =	dma.local [hbm:s9], $0x2800  }
0x89: {  	_ =	swait.ge [sflag:s12], $0x2800  }
0x8a: {  	[sflag:s12] =	ssyncset.done $0x0  }
0x8b: {  	[sflag:s12] =	ssyncadd.s32 $0xFFFFD800  }
0x8c: {  	s30 =	simm.s32 $0x0;
	[bflag:$0x0] =	sbarrier.arrive $0xFFFF  }
0x8d: {  	v2 =	vld [tilespmem:s30+$0x0];
	_ =	sdelay $0x4  }
0x8e: {  	v2 =	vadd.s32 v1, v2  }
0x8f: {  	[tilespmem:$0x5000] =	vst v2  }
0x90: {  	v2 =	vld [tilespmem:s30+$0x10];
	_ =	sdelay $0x4  }
0x91: {  	v2 =	vadd.s32 v1, v2  }
0x92: {  	[tilespmem:$0x5010] =	vst v2  }
0x93: {  	v2 =	vld [tilespmem:s30+$0x20];
	_ =	sdelay $0x4  }
0x94: {  	v2 =	vadd.s32 v1, v2  }
0x95: {  	[tilespmem:$0x5020] =	vst v2  }
0x96: {  	v2 =	vld [tilespmem:s30+$0x30];
	_ =	sdelay $0x4  }
0x97: {  	v2 =	vadd.s32 v1, v2  }
0x98: {  	[tilespmem:$0x5030] =	vst v2  }
0x99: {  	v2 =	vld [tilespmem:s30+$0x40];
	_ =	sdelay $0x4  }
0x9a: {  	v2 =	vadd.s32 v1, v2  }
0x9b: {  	[tilespmem:$0x5040] =	vst v2  }
0x9c: {  	v2 =	vld [tilespmem:s30+$0x50];
	_ =	sdelay $0x4  }
0x9d: {  	v2 =	vadd.s32 v1, v2  }
0x9e: {  	[tilespmem:$0x5050] =	vst v2  }
0x9f: {  	v2 =	vld [tilespmem:s30+$0x60];
	_ =	sdelay $0x4  }
0xa0: {  	v2 =	vadd.s32 v1, v2  }
0xa1: {  	[tilespmem:$0x5060] =	vst v2  }
0xa2: {  	v2 =	vld [tilespmem:s30+$0x70];
	_ =	sdelay $0x4  }
0xa3: {  	v2 =	vadd.s32 v1, v2  }
0xa4: {  	[tilespmem:$0x5070] =	vst v2  }
0xa5: {  	[tilespmem:s18], [sflag:$0x1] =	stream.indirect.gather [hbm4b:s4+s16], $0x80, s17, s16, $0xb8;
	[tilespmem:$0x1D080] =	vst v63  }
0xa6: {  	_ =	swait.ge [sflag:s19], $0x4000  }
0xa7: {  	[sflag:s19] =	ssyncset.done $0x0  }
0xa8: {  	s31 =	simm.s32 $0x2800;
	[sflag:s19] =	ssyncadd.s32 $0xFFFFC000  }
0xa9: {  	[spmem:s2] =	stream.indirect.scatter.add.f32 [tilespmem:s18], [sflag:$0x2], $0x80, s31, s16, $0xb8;
	[tilespmem:$0x1D080] =	vst v63  }
0xaa: {  	_ =	swait.ge [sflag:s12], $0x4000  }
0xab: {  	s24 =	simm.s32 $0x400;
	s21 =	simm.s32 $0x200;
	[sflag:s12] =	ssyncset.done $0x0  }
.LBB2_4:
0xac: {  	s23 =	sshra.s32 s21, $0x2  }
0xad: {  	[sflag:s12] =	ssyncadd.s32 $0xFFFFC000;
	s21 =	smov.u32 s24;
	s22 =	sadd.s32 $0x200, s24  }
0xae: {  	p0 =	sne.s32 s24, $0x9E00;
	v2 =	vld [tilespmem:s23+$0x0];
	_ =	sdelay $0x4  }
0xaf: {  	v2 =	vadd.s32 v1, v2  }
0xb0: {  	[tilespmem:$0x5000] =	vst v2  }
0xb1: {  	v2 =	vld [tilespmem:s23+$0x10];
	_ =	sdelay $0x4  }
0xb2: {  	v2 =	vadd.s32 v1, v2  }
0xb3: {  	[tilespmem:$0x5010] =	vst v2  }
0xb4: {  	v2 =	vld [tilespmem:s23+$0x20];
	_ =	sdelay $0x4  }
0xb5: {  	v2 =	vadd.s32 v1, v2  }
0xb6: {  	[tilespmem:$0x5020] =	vst v2  }
0xb7: {  	v2 =	vld [tilespmem:s23+$0x30];
	_ =	sdelay $0x4  }
0xb8: {  	v2 =	vadd.s32 v1, v2  }
0xb9: {  	[tilespmem:$0x5030] =	vst v2  }
0xba: {  	v2 =	vld [tilespmem:s23+$0x40];
	_ =	sdelay $0x4  }
0xbb: {  	v2 =	vadd.s32 v1, v2  }
0xbc: {  	[tilespmem:$0x5040] =	vst v2  }
0xbd: {  	v2 =	vld [tilespmem:s23+$0x50];
	_ =	sdelay $0x4  }
0xbe: {  	v2 =	vadd.s32 v1, v2  }
0xbf: {  	[tilespmem:$0x5050] =	vst v2  }
0xc0: {  	v2 =	vld [tilespmem:s23+$0x60];
	_ =	sdelay $0x4  }
0xc1: {  	v2 =	vadd.s32 v1, v2  }
0xc2: {  	[tilespmem:$0x5060] =	vst v2  }
0xc3: {  	v2 =	vld [tilespmem:s23+$0x70];
	_ =	sdelay $0x4  }
0xc4: {  	v2 =	vadd.s32 v1, v2  }
0xc5: {  	[tilespmem:$0x5070] =	vst v2  }
0xc6: {  	[tilespmem:s18], [sflag:$0x1] =	stream.indirect.gather [hbm4b:s4+s16], $0x80, s17, s16, $0xb8;
	[tilespmem:$0x1D080] =	vst v63  }
0xc7: {  	_ =	swait.ge [sflag:s19], $0x4000  }
.Ltmp1:
0xc8: {  	[sflag:s19] =	ssyncset.done $0x0;
	(pc) =	sbr.rel @p0 .LBB2_4-.Ltmp1, $4  }
0xc9: {  	s23 =	sadd.s32 $0x2800, s23;
	[sflag:s19] =	ssyncadd.s32 $0xFFFFC000  }
0xca: {  	[spmem:s2] =	stream.indirect.scatter.add.f32 [tilespmem:s18], [sflag:$0x2], $0x80, s23, s16, $0xb8;
	[tilespmem:$0x1D080] =	vst v63  }
0xcb: {  	_ =	swait.ge [sflag:s12], $0x4000  }
0xcc: {  	s24 =	smov.u32 s22;
	[sflag:s12] =	ssyncset.done $0x0  }
0xcd: {  	s21 =	sshra.s32 s21, $0x2;
	[sflag:s12] =	ssyncadd.s32 $0xFFFFC000  }
0xce: {  	v2 =	vld [tilespmem:s21+$0x0];
	_ =	sdelay $0x4  }
0xcf: {  	v2 =	vadd.s32 v1, v2  }
0xd0: {  	[tilespmem:$0x5000] =	vst v2  }
0xd1: {  	v2 =	vld [tilespmem:s21+$0x10];
	_ =	sdelay $0x4  }
0xd2: {  	v2 =	vadd.s32 v1, v2  }
0xd3: {  	[tilespmem:$0x5010] =	vst v2  }
0xd4: {  	v2 =	vld [tilespmem:s21+$0x20];
	_ =	sdelay $0x4  }
0xd5: {  	v2 =	vadd.s32 v1, v2  }
0xd6: {  	[tilespmem:$0x5020] =	vst v2  }
0xd7: {  	v2 =	vld [tilespmem:s21+$0x30];
	_ =	sdelay $0x4  }
0xd8: {  	v2 =	vadd.s32 v1, v2  }
0xd9: {  	[tilespmem:$0x5030] =	vst v2  }
0xda: {  	v2 =	vld [tilespmem:s21+$0x40];
	_ =	sdelay $0x4  }
0xdb: {  	v2 =	vadd.s32 v1, v2  }
0xdc: {  	[tilespmem:$0x5040] =	vst v2  }
0xdd: {  	v2 =	vld [tilespmem:s21+$0x50];
	_ =	sdelay $0x4  }
0xde: {  	v2 =	vadd.s32 v1, v2  }
0xdf: {  	[tilespmem:$0x5050] =	vst v2  }
0xe0: {  	v2 =	vld [tilespmem:s21+$0x60];
	_ =	sdelay $0x4  }
0xe1: {  	v2 =	vadd.s32 v1, v2  }
0xe2: {  	[tilespmem:$0x5060] =	vst v2  }
0xe3: {  	v2 =	vld [tilespmem:s21+$0x70];
	_ =	sdelay $0x4  }
0xe4: {  	v2 =	vadd.s32 v1, v2  }
0xe5: {  	[tilespmem:$0x5070] =	vst v2  }
0xe6: {  	[tilespmem:s18], [sflag:$0x1] =	stream.indirect.gather [hbm4b:s4+s16], $0x80, s17, s16, $0xb8;
	[tilespmem:$0x1D080] =	vst v63  }
0xe7: {  	_ =	swait.ge [sflag:s19], $0x4000  }
0xe8: {  	[sflag:s19] =	ssyncset.done $0x0  }
0xe9: {  	s21 =	sadd.s32 $0x2800, s21;
	[sflag:s19] =	ssyncadd.s32 $0xFFFFC000  }
0xea: {  	[spmem:s2] =	stream.indirect.scatter.add.f32 [tilespmem:s18], [sflag:$0x2], $0x80, s21, s16, $0xb8;
	[tilespmem:$0x1D080] =	vst v63  }
0xeb: {  	_ =	swait.ge [sflag:s12], $0x4000  }
0xec: {  	s20 =	sadd.s32 $0x1, s20;
	[sflag:s12] =	ssyncset.done $0x0  }
0xed: {  	p0 =	sne.s32 s20, s11;
	[sflag:s12] =	ssyncadd.s32 $0xFFFFC000  }
.Ltmp2:
0xee: {  	[bflag:$0x0] =	sbarrier.arrive $0xFFFF;
	(pc) =	sbr.rel @p0 .LBB2_1-.Ltmp2, $4  }
0xef: {  	[hbm:s10], [sflag:s14] =	dma.local [spmem:s15], $0x2800  }
0xf0: {  	_ =	swait.ge [sflag:s12], $0x2800  }
0xf1: {  	[sflag:s12] =	ssyncset.done $0x0  }
0xf2: {  	[sflag:s12] =	ssyncadd.s32 $0xFFFFD800  }
0xf3: {  	_ =	sfence.sel $0x180000  }
0xf4: {  	[bflag:$0x0] =	sbarrier.arrive $0xFFFF  }
0xf5: {  	p0 =	sne.s32 s1, $0x0;
	_ =	strace $0x9000004A  }
0xf6: {  	s0 =	sadd.s32 @!p0 $0x100000, s0;
	[bflag:$0x2] =	sbarrier.arrive $0xFFFF  }
0xf7: {  	[sflag:s0] =	ssyncadd.tile.s32 @!p0 $0x1;
	_ =	shalt  }
.Lfunc_end2:
_tile_overlayer_lowered:
.L_overlay_start_2:
0xf8: {  	(tag) =	ssettag $0x2  }
0xf9: {  	s0 =	rddreg [dreg:$0x0];
	s2 =	stileid.u32  }
0xfa: {  	s1 =	rddreg [dreg:$0x1];
	p0 =	sne.s32 s2, $0x0  }
0xfb: {  	s3 =	rddreg [dreg:$0x2];
	[bflag:$0x3] =	sbarrier.arrive $0xFFFF;
	s2 =	simm.s32 @!p0 $0x1C02  }
0xfc: {  	[timem:s3], [sflag:s2] =	dma.local @!p0 [hbm:s0], s1  }
0xfd: {  	s0 =	simm.s32 @!p0 $0x2  }
0xfe: {  	_ =	swait.ge @!p0 [sflag:s0], s1  }
0xff: {  	s1 =	ssub.s32 @!p0 $0x0, s1;
	[sflag:s0] =	ssyncset.done @!p0 $0x0  }
0x100: {  	[sflag:s0] =	ssyncadd.s32 @!p0 s1  }
0x101: {  	[bflag:$0x3] =	sbarrier.arrive $0xFFFF  }
0x102: {  	_ =	shalt  }

// kernel: kernel.14.cloned.1.call-start
scs
__scs_entry_jumppad:
0x0: {  	(pc) =	sbr.rel $0x88, $3  }
0x1: {  	(tag) =	ssettag $0x0;
	lr =	simm.s32 $0x1  }
0x2: {  	[smem:$0x3F99] =	sst lr;
	_ =	strace $0xD0000000  }
0x3: {  	_ = 	snop  }
0x4: {  	_ = 	snop  }
0x5: {  	_ = 	snop  }
0x6: {  	_ = 	snop  }
0x7: {  	_ = 	snop  }
__scs_overlays_trampoline_lowered:
0x8: {  	[smem:$0x3FA8] =	sst s0  }
0x9: {  	[smem:$0x3FA9] =	sst s1  }
0xa: {  	[smem:$0x3FAA] =	sst s2  }
0xb: {  	[smem:$0x3FAB] =	sst s3  }
0xc: {  	[smem:$0x3FAC] =	sst s4  }
0xd: {  	[smem:$0x3FAD] =	sst s5  }
0xe: {  	[smem:$0x3FAE] =	sst s6  }
0xf: {  	[smem:$0x3FAF] =	sst s7  }
0x10: {  	[smem:$0x3FB0] =	sst s8  }
0x11: {  	[smem:$0x3FB1] =	sst s9;
	s0 =	simm.s32 @!p0 $0x0  }
0x12: {  	s1 =	sld [smem:$0x3F97];
	s0 =	simm.s32 @p0 $0x1  }
0x13: {  	[smem:$0x3FB2] =	sst s0;
	s0 =	simm.s32 @!p1 $0x0  }
0x14: {  	s2 =	sld [smem:$0x3F96];
	s0 =	simm.s32 @p1 $0x1  }
0x15: {  	[smem:$0x3FB3] =	sst s0;
	s0 =	simm.s32 @!p2 $0x0  }
0x16: {  	s3 =	sld [smem:$0x3FDB];
	s0 =	simm.s32 @p2 $0x1  }
0x17: {  	s4 =	simm.s32 $0x1BF5;
	[smem:$0x3FB5] =	sst s0  }
0x18: {  	s0 =	sld [smem:$0x3F98];
	_ =	swait.ge [sflag:s4], $0x0  }
0x19: {  	s7 =	sld [smem:$0x3F99]  }
0x1a: {  	s8 =	sadd.s32 $0xFFFFE003, lr  }
0x1b: {  	s9 =	sadd.s32 $0xFFFFFEF7, lr;
	s5 =	simm.s32 $0xFFFFFFFF;
	p2 =	slt.u32 s8, $0xFFFFF086  }
0x1c: {  	p1 =	slt.u32 s9, $0xF7A;
	s5 =	simm.s32 @!p2 $0x0  }
0x1d: {  	s5 =	simm.s32 @p1 $0x1;
	p0 =	seq.s32 s7, s2  }
0x1e: {  	s7 =	smul.u32 @!p0 $0xF7A, s2;
	p2 =	seq.s32 @!p0 s5, $0x0  }
0x1f: {  	s9 =	smul.u32 $0xF7A, s1;
	s8 =	simm.s32 @!p0 $0x1BF5;
	p2 =	por !p2, p0  }
0x20: {  	[sflag:s8] =	ssyncset.s32 @!p0 $0xFFFFF086;
	s6 =	sadd.s32 @!p0 s3, s7;
	s7 =	simm.s32 @!p0 $0x108  }
0x21: {  	s3 =	sadd.s32 s3, s9;
	s6 =	sadd.s32 @!p0 $0x88, s6;
	s7 =	simm.s32 @p2 $0x1082  }
0x22: {  	[simem:s7], [sflag:s8] =	dma.local @!p0 [hbm:s6], $0xF7A  }
0x23: {  	s9 =	sor.u32 $0xD0000000, s2;
	s6 =	simm.s32 $0x108;
	_ =	swait.ge @!p0 [sflag:s8], $0x0  }
0x24: {  	s3 =	sadd.s32 $0x88, s3;
	s6 =	simm.s32 @!p1 $0x1082;
	[sflag:s4] =	ssyncset.s32 $0xFFFFF086  }
0x25: {  	[simem:s6], [sflag:s4] =	dma.local [hbm:s3], $0xF7A  }
0x26: {  	[smem:$0x3F99] =	sst s1;
	(tag) =	ssettag s2;
	_ =	strace s9  }
0x27: {  	s1 =	sld [smem:$0x3FA9]  }
0x28: {  	s2 =	sld [smem:$0x3FAA]  }
0x29: {  	s4 =	sld [smem:$0x3FAC]  }
0x2a: {  	p0 =	seq.s32 s5, $0x0;
	s5 =	sld [smem:$0x3FAD]  }
0x2b: {  	s6 =	sld [smem:$0x3FAE]  }
0x2c: {  	s7 =	sld [smem:$0x3FAF]  }
0x2d: {  	s3 =	simm.s32 $0x108;
	s8 =	sld [smem:$0x3FB0]  }
0x2e: {  	s3 =	simm.s32 @!p0 $0x1082;
	s9 =	sld [smem:$0x3FB1]  }
0x2f: {  	lr =	sadd.s32 s0, s3;
	s0 =	sld [smem:$0x3FA8]  }
0x30: {  	s3 =	sld [smem:$0x3FAB]  }
0x31: {  	[smem:$0x3FB4] =	sst s10  }
0x32: {  	s10 =	sld [smem:$0x3FB2];
	_ =	sdelay $0x3  }
0x33: {  	p0 =	seq.s32 s10, $0x1;
	s10 =	sld [smem:$0x3FB4];
	_ =	sdelay $0x3  }
0x34: {  	[smem:$0x3FB4] =	sst s10  }
0x35: {  	s10 =	sld [smem:$0x3FB3];
	_ =	sdelay $0x3  }
0x36: {  	p1 =	seq.s32 s10, $0x1;
	s10 =	sld [smem:$0x3FB4];
	_ =	sdelay $0x3  }
0x37: {  	[smem:$0x3FB4] =	sst s10  }
0x38: {  	s10 =	sld [smem:$0x3FB5]  }
0x39: {  	_ = 	snop;
	(pc) =	sbr.ind lr, $3  }
0x3a: {  	_ = 	snop  }
0x3b: {  	_ = 	snop  }
0x3c: {  	p2 =	seq.s32 s10, $0x1;
	s10 =	sld [smem:$0x3FB4]  }
0x3d: {  	_ =	shalt  }
0x3e: {  	_ =	shalt  }
0x3f: {  	_ =	shalt  }
0x40: {  	_ =	shalt  }
0x41: {  	_ =	shalt  }
0x42: {  	_ =	shalt  }
0x43: {  	_ =	shalt  }
0x44: {  	_ =	shalt  }
0x45: {  	_ =	shalt  }
0x46: {  	_ =	shalt  }
0x47: {  	_ =	shalt  }
0x48: {  	_ =	shalt  }
0x49: {  	_ =	shalt  }
0x4a: {  	_ =	shalt  }
0x4b: {  	_ =	shalt  }
0x4c: {  	_ =	shalt  }
0x4d: {  	_ =	shalt  }
0x4e: {  	_ =	shalt  }
0x4f: {  	_ =	shalt  }
0x50: {  	_ =	shalt  }
0x51: {  	_ =	shalt  }
0x52: {  	_ =	shalt  }
0x53: {  	_ =	shalt  }
0x54: {  	_ =	shalt  }
0x55: {  	_ =	shalt  }
0x56: {  	_ =	shalt  }
0x57: {  	_ =	shalt  }
0x58: {  	_ =	shalt  }
0x59: {  	_ =	shalt  }
0x5a: {  	_ =	shalt  }
0x5b: {  	_ =	shalt  }
0x5c: {  	_ =	shalt  }
0x5d: {  	_ =	shalt  }
0x5e: {  	_ =	shalt  }
0x5f: {  	_ =	shalt  }
0x60: {  	_ =	shalt  }
0x61: {  	_ =	shalt  }
0x62: {  	_ =	shalt  }
0x63: {  	_ =	shalt  }
0x64: {  	_ =	shalt  }
0x65: {  	_ =	shalt  }
0x66: {  	_ =	shalt  }
0x67: {  	_ =	shalt  }
0x68: {  	_ =	shalt  }
0x69: {  	_ =	shalt  }
0x6a: {  	_ =	shalt  }
0x6b: {  	_ =	shalt  }
0x6c: {  	_ =	shalt  }
0x6d: {  	_ =	shalt  }
0x6e: {  	_ =	shalt  }
0x6f: {  	_ =	shalt  }
0x70: {  	_ =	shalt  }
0x71: {  	_ =	shalt  }
0x72: {  	_ =	shalt  }
0x73: {  	_ =	shalt  }
0x74: {  	_ =	shalt  }
0x75: {  	_ =	shalt  }
0x76: {  	_ =	shalt  }
0x77: {  	_ =	shalt  }
0x78: {  	_ =	shalt  }
0x79: {  	_ =	shalt  }
0x7a: {  	_ =	shalt  }
0x7b: {  	_ =	shalt  }
0x7c: {  	_ =	shalt  }
0x7d: {  	_ =	shalt  }
0x7e: {  	_ =	shalt  }
0x7f: {  	_ =	shalt  }
0x80: {  	_ =	shalt  }
0x81: {  	_ =	shalt  }
0x82: {  	_ =	shalt  }
0x83: {  	_ =	shalt  }
0x84: {  	_ =	shalt  }
0x85: {  	_ =	shalt  }
0x86: {  	_ =	shalt  }
0x87: {  	_ =	shalt  }
.Lfunc_end0:
.L_simem_size_0:
called_computation.2_lowered:
.L_overlay_start_0:
0x88: {  	s2 =	sld [smem:$0x3FD9]  }
0x89: {  	s3 =	sld [smem:$0x3FFE];
	_ =	sdelay $0x1  }
0x8a: {  	s1 =	srdreg.scid  }
0x8b: {  	s0 =	sand.u32 $0x1, s1  }
0x8c: {  	s17 =	sshll.u32 s0, $0xA;
	s2 =	sadd.s32 s3, s2  }
0x8d: {  	s2 =	sadd.s32 s2, s17  }
0x8e: {  	[smem:$0x3FC0] =	sst s2  }
0x8f: {  	_ = 	snop  }
0x90: {  	s2 =	sld [smem:$0x3FD0];
	(tm) =	ssettm $0x1  }
0x91: {  	s18 =	sld [smem:$0x3FFB];
	_ =	sdelay $0x3  }
0x92: {  	_ =	strace s18  }
0x93: {  	s3 =	sld [smem:$0x3FFC];
	_ =	sdelay $0x3  }
0x94: {  	_ =	strace s3  }
0x95: {  	s3 =	sld [smem:$0x3FFD];
	_ =	sdelay $0x3  }
0x96: {  	_ =	strace s3  }
0x97: {  	_ =	strace $0x8FFFFFFF  }
0x98: {  	s19 =	sld [smem:$0x3FDB];
	_ =	sdelay $0x1  }
0x99: {  	s4 =	simm.s32 $_scs_section_size  }
0x9a: {  	s5 =	simm.s32 $_size__tile_overlayer_lowered;
	s6 =	simm.s32 $_tile_overlayer_lowered  }
0x9b: {  	s22 =	simm.s32 $0x1BFF;
	s21 =	sshll.u32 s6, $0x1;
	s3 =	sadd.s32 s4, s19  }
0x9c: {  	s7 =	simm.s32 $0x0;
	s20 =	sshll.u32 s5, $0x1;
	s5 =	sadd.s32 s21, s3  }
0x9d: {  	[timem:s7], [sflag:s22] =	dma.local [hbm:s5], s20  }
0x9e: {  	_ =	swait.ge [sflag:s22], s20  }
0x9f: {  	s4 =	ssub.s32 $0x0, s20;
	[sflag:s22] =	ssyncset.done $0x0  }
0xa0: {  	[sflag:s22] =	ssyncadd.s32 s4;
	_ =	sdelay $0x1  }
0xa1: {  	s23 =	simm.s32 $0x1B8B  }
0xa2: {  	_ =	swait.ge [sflag:s23], $0x1  }
0xa3: {  	[sflag:s23] =	ssyncset.done $0x0  }
0xa4: {  	s25 =	simm.s32 $0x1B8E;
	s24 =	sld [smem:$0x3FFE];
	[sflag:s23] =	ssyncadd.s32 $0xFFFFFFFF  }
0xa5: {  	s26 =	simm.s32 $execute0_lowered;
	[smem:$0x3FD2] =	sst s25  }
0xa6: {  	s5 =	sshll.u32 s26, $0x1;
	_ =	strace $0x8000004C;
	[dreg:$0x1] =	wrdreg $0xFFFFFFFF  }
0xa7: {  	s28 =	simm.s32 $_size_execute0_lowered;
	s3 =	sadd.s32 s3, s5;
	[dreg:$0x0] =	wrdreg $0x0  }
0xa8: {  	s5 =	sshll.u32 s28, $0x1;
	[dreg:$0x2] =	wrdreg s3  }
0xa9: {  	[dreg:$0x3] =	wrdreg s5  }
0xaa: {  	[dreg:$0x4] =	wrdreg $0xC0  }
0xab: {  	_ =	task [dreg:s7], $0x5FFFF  }
0xac: {  	[dreg:$0x1] =	wrdreg $0xFFFFFFFF  }
0xad: {  	[dreg:$0x0] =	wrdreg $0x60  }
0xae: {  	[dreg:$0x2] =	wrdreg s24  }
0xaf: {  	[dreg:$0x3] =	wrdreg s2  }
0xb0: {  	[dreg:$0x4] =	wrdreg $0x90800  }
0xb1: {  	[dreg:$0x5] =	wrdreg $0x9  }
0xb2: {  	_ =	task.clear_ibuf [dreg:s7], $0x6FFFF;
	_ =	strace $0x9000004C  }
0xb3: {  	s29 =	simm.s32 $0x9;
	_ =	strace $0x8000004E  }
0xb4: {  	_ =	swait.ge [sflag:s29], $0x1  }
0xb5: {  	[sflag:s29] =	ssyncadd.s32 $0xFFFFFFFF  }
0xb6: {  	_ =	strace $0x9000004E  }
0xb7: {  	_ =	sfence  }
0xb8: {  	s30 =	sld [smem:$0x0];
	_ =	sdelay $0x2  }
0xb9: {  	s31 =	sshll.u32 s1, $0xD;
	s1 =	sshrl.u32 s1, $0x2  }
0xba: {  	s3 =	sand.u32 $0x4000, s31;
	s1 =	sadd.s32 s1, s30  }
0xbb: {  	s0 =	sor.u32 s3, s0;
	s1 =	sshll.u32 s1, $0x11  }
0xbc: {  	s0 =	sor.u32 s1, s0  }
0xbd: {  	s0 =	sadd.s32 $0x8F2B, s0  }
0xbe: {  	[sflag:s0] =	ssyncadd.remote.s32 $0x1  }
0xbf: {  	_ =	sfence.sel $0xFFFF  }
0xc0: {  	[dreg:$0x0] =	wrdreg $0xFFFFFFFF;
	(pc) =	sbr.abs _section_cstart, $3  }
0xc1: {  	[dreg:$0x1] =	wrdreg $0xFFFFFFFF  }
0xc2: {  	_ =	task.clear_ibuf [dreg:s7], $0x2FFFF;
	_ =	strace $0x9FFFFFFF  }
0xc3: {  	(tm) =	ssettm $0x7FFFFFFF  }
tec
execute0_lowered:
.L_overlay_start_1:
0x0: {  	(tag) =	ssettag $0x1  }
0x1: {  	s5 =	rddreg [dreg:$0x0]  }
0x2: {  	s6 =	rddreg [dreg:$0x1]  }
0x3: {  	s2 =	rddreg [dreg:$0x2]  }
0x4: {  	s0 =	rddreg [dreg:$0x3];
	s1 =	stileid.u32  }
0x5: {  	s3 =	simm.s32 $0x0;
	s4 =	srdreg.scid;
	s7 =	smul.u32 $0x500, s1  }
0x6: {  	[smem:$0x7FF] =	sst s3;
	s11 =	smul.u32 $0x280, s1  }
0x7: {  	s8 =	sand.u32 $0x1, s4;
	s4 =	sadd.s32 $0x59E00, s5;
	s13 =	smul.u32 $0x50000, s1  }
0x8: {  	s12 =	sadd.s32 $0xF9E00, s5;
	s17 =	smul.u32 $0x14000, s1;
	s31 =	sshll.u32 s1, $0x6  }
0x9: {  	_ =	strace $0x8000004D;
	s18 =	smul.u32 $0x5000, s8;
	s10 =	ssub.s32 $0x2, s8  }
0xa: {  	s20 =	smul.u32 $0x280000, s8;
	s21 =	sshllo.u32 s8, $0x1;
	s9 =	sadd.s32 s7, s5  }
0xb: {  	s16 =	sshrl.u32 s10, $0x1;
	s6 =	sadd.s32 s6, s7;
	s19 =	smul.u32 $0x2800, s21  }
0xc: {  	s22 =	sshrl.u32 s13, $0x2;
	s25 =	smul.u32 $0x140000, s21;
	s13 =	simm.s32 $0x2800  }
0xd: {  	s14 =	ssub.s32 s10, s16;
	s5 =	sadd.s32 $0x54E00, s9;
	s23 =	sadd.s32 s11, s18  }
0xe: {  	s15 =	sadd.s32 s22, s2;
	s26 =	sadd.s32 s17, s20;
	s16 =	simm.s32 $0x80  }
0xf: {  	v0 =	vmov s18;
	s18 =	simm.s32 $0x5080;
	s20 =	simm.s32 $0x0;
	s24 =	sshll.u32 s23, $0x4  }
0x10: {  	s28 =	sadd.s32 s11, s19;
	s8 =	sshrl.u32 s26, $0x3;
	s29 =	sadd.s32 s17, s25  }
0x11: {  	s11 =	smax.u32 s14, $0x1;
	s14 =	sor.u32 $0x1C02, s31;
	s15 =	sshrl.u32 s15, $0x3  }
0x12: {  	s17 =	simm.s32 $0x5000;
	v1 =	vmov s19;
	s19 =	simm.s32 $0x1;
	s7 =	sadd.s32 s4, s24  }
0x13: {  	s10 =	sshll.u32 s28, $0x4;
	s8 =	sadd.s32 s12, s8;
	s30 =	sshrl.u32 s29, $0x3  }
0x14: {  	s9 =	sadd.s32 s4, s10;
	s10 =	sadd.s32 s12, s30;
	s12 =	simm.s32 $0x2  }
.LBB2_1:
0x15: {  	[tilespmem:s3], [sflag:$0x2] =	stream.linear.gather [hbm4b:s5+s3], $0x2800, $0x38;
	[tilespmem:$0x1D080] =	vst v63  }
0x16: {  	_ =	swait.ge [sflag:s12], $0x2800  }
0x17: {  	[sflag:s12] =	ssyncset.done $0x0  }
0x18: {  	[sflag:s12] =	ssyncadd.s32 $0xFFFFD800  }
0x19: {  	[tilespmem:s13], [sflag:$0x2] =	stream.linear.gather [hbm4b:s6+s3], $0x2800, $0x38;
	[tilespmem:$0x1D080] =	vst v63  }
0x1a: {  	_ =	swait.ge [sflag:s12], $0x2800  }
0x1b: {  	[sflag:s12] =	ssyncset.done $0x0  }
0x1c: {  	[sflag:s12] =	ssyncadd.s32 $0xFFFFD800  }
0x1d: {  	[spmem:s15], [sflag:s14] =	dma.local [hbm:s7], $0x2800  }
0x1e: {  	_ =	swait.ge [sflag:s12], $0x2800  }
0x1f: {  	[sflag:s12] =	ssyncset.done $0x0  }
0x20: {  	[sflag:s12] =	ssyncadd.s32 $0xFFFFD800  }
0x21: {  	s21 =	simm.s32 $0x0;
	[bflag:$0x0] =	sbarrier.arrive $0xFFFF  }
0x22: {  	v2 =	vld [tilespmem:s21+$0x0];
	_ =	sdelay $0x4  }
0x23: {  	v2 =	vadd.s32 v0, v2  }
0x24: {  	[tilespmem:$0x5000] =	vst v2  }
0x25: {  	v2 =	vld [tilespmem:s21+$0x10];
	_ =	sdelay $0x4  }
0x26: {  	v2 =	vadd.s32 v0, v2  }
0x27: {  	[tilespmem:$0x5010] =	vst v2  }
0x28: {  	v2 =	vld [tilespmem:s21+$0x20];
	_ =	sdelay $0x4  }
0x29: {  	v2 =	vadd.s32 v0, v2  }
0x2a: {  	[tilespmem:$0x5020] =	vst v2  }
0x2b: {  	v2 =	vld [tilespmem:s21+$0x30];
	_ =	sdelay $0x4  }
0x2c: {  	v2 =	vadd.s32 v0, v2  }
0x2d: {  	[tilespmem:$0x5030] =	vst v2  }
0x2e: {  	v2 =	vld [tilespmem:s21+$0x40];
	_ =	sdelay $0x4  }
0x2f: {  	v2 =	vadd.s32 v0, v2  }
0x30: {  	[tilespmem:$0x5040] =	vst v2  }
0x31: {  	v2 =	vld [tilespmem:s21+$0x50];
	_ =	sdelay $0x4  }
0x32: {  	v2 =	vadd.s32 v0, v2  }
0x33: {  	[tilespmem:$0x5050] =	vst v2  }
0x34: {  	v2 =	vld [tilespmem:s21+$0x60];
	_ =	sdelay $0x4  }
0x35: {  	v2 =	vadd.s32 v0, v2  }
0x36: {  	[tilespmem:$0x5060] =	vst v2  }
0x37: {  	v2 =	vld [tilespmem:s21+$0x70];
	_ =	sdelay $0x4  }
0x38: {  	v2 =	vadd.s32 v0, v2  }
0x39: {  	[tilespmem:$0x5070] =	vst v2  }
0x3a: {  	[tilespmem:s18], [sflag:$0x1] =	stream.indirect.gather [hbm4b:s4+s16], $0x80, s17, s16, $0xb8;
	[tilespmem:$0x1D080] =	vst v63  }
0x3b: {  	_ =	swait.ge [sflag:s19], $0x4000  }
0x3c: {  	[sflag:s19] =	ssyncset.done $0x0  }
0x3d: {  	s31 =	simm.s32 $0x2800;
	[sflag:s19] =	ssyncadd.s32 $0xFFFFC000  }
0x3e: {  	[spmem:s2] =	stream.indirect.scatter.add.f32 [tilespmem:s18], [sflag:$0x2], $0x80, s31, s16, $0xb8;
	[tilespmem:$0x1D080] =	vst v63  }
0x3f: {  	_ =	swait.ge [sflag:s12], $0x4000  }
0x40: {  	s24 =	simm.s32 $0x400;
	s21 =	simm.s32 $0x200;
	[sflag:s12] =	ssyncset.done $0x0  }
.LBB2_2:
0x41: {  	s23 =	sshra.s32 s21, $0x2  }
0x42: {  	[sflag:s12] =	ssyncadd.s32 $0xFFFFC000;
	s21 =	smov.u32 s24;
	s22 =	sadd.s32 $0x200, s24  }
0x43: {  	p0 =	sne.s32 s24, $0x9E00;
	v2 =	vld [tilespmem:s23+$0x0];
	_ =	sdelay $0x4  }
0x44: {  	v2 =	vadd.s32 v0, v2  }
0x45: {  	[tilespmem:$0x5000] =	vst v2  }
0x46: {  	v2 =	vld [tilespmem:s23+$0x10];
	_ =	sdelay $0x4  }
0x47: {  	v2 =	vadd.s32 v0, v2  }
0x48: {  	[tilespmem:$0x5010] =	vst v2  }
0x49: {  	v2 =	vld [tilespmem:s23+$0x20];
	_ =	sdelay $0x4  }
0x4a: {  	v2 =	vadd.s32 v0, v2  }
0x4b: {  	[tilespmem:$0x5020] =	vst v2  }
0x4c: {  	v2 =	vld [tilespmem:s23+$0x30];
	_ =	sdelay $0x4  }
0x4d: {  	v2 =	vadd.s32 v0, v2  }
0x4e: {  	[tilespmem:$0x5030] =	vst v2  }
0x4f: {  	v2 =	vld [tilespmem:s23+$0x40];
	_ =	sdelay $0x4  }
0x50: {  	v2 =	vadd.s32 v0, v2  }
0x51: {  	[tilespmem:$0x5040] =	vst v2  }
0x52: {  	v2 =	vld [tilespmem:s23+$0x50];
	_ =	sdelay $0x4  }
0x53: {  	v2 =	vadd.s32 v0, v2  }
0x54: {  	[tilespmem:$0x5050] =	vst v2  }
0x55: {  	v2 =	vld [tilespmem:s23+$0x60];
	_ =	sdelay $0x4  }
0x56: {  	v2 =	vadd.s32 v0, v2  }
0x57: {  	[tilespmem:$0x5060] =	vst v2  }
0x58: {  	v2 =	vld [tilespmem:s23+$0x70];
	_ =	sdelay $0x4  }
0x59: {  	v2 =	vadd.s32 v0, v2  }
0x5a: {  	[tilespmem:$0x5070] =	vst v2  }
0x5b: {  	[tilespmem:s18], [sflag:$0x1] =	stream.indirect.gather [hbm4b:s4+s16], $0x80, s17, s16, $0xb8;
	[tilespmem:$0x1D080] =	vst v63  }
0x5c: {  	_ =	swait.ge [sflag:s19], $0x4000  }
.Ltmp0:
0x5d: {  	[sflag:s19] =	ssyncset.done $0x0;
	(pc) =	sbr.rel @p0 .LBB2_2-.Ltmp0, $4  }
0x5e: {  	s23 =	sadd.s32 $0x2800, s23;
	[sflag:s19] =	ssyncadd.s32 $0xFFFFC000  }
0x5f: {  	[spmem:s2] =	stream.indirect.scatter.add.f32 [tilespmem:s18], [sflag:$0x2], $0x80, s23, s16, $0xb8;
	[tilespmem:$0x1D080] =	vst v63  }
0x60: {  	_ =	swait.ge [sflag:s12], $0x4000  }
0x61: {  	s24 =	smov.u32 s22;
	[sflag:s12] =	ssyncset.done $0x0  }
0x62: {  	s21 =	sshra.s32 s21, $0x2;
	[sflag:s12] =	ssyncadd.s32 $0xFFFFC000  }
0x63: {  	v2 =	vld [tilespmem:s21+$0x0];
	_ =	sdelay $0x4  }
0x64: {  	v2 =	vadd.s32 v0, v2  }
0x65: {  	[tilespmem:$0x5000] =	vst v2  }
0x66: {  	v2 =	vld [tilespmem:s21+$0x10];
	_ =	sdelay $0x4  }
0x67: {  	v2 =	vadd.s32 v0, v2  }
0x68: {  	[tilespmem:$0x5010] =	vst v2  }
0x69: {  	v2 =	vld [tilespmem:s21+$0x20];
	_ =	sdelay $0x4  }
0x6a: {  	v2 =	vadd.s32 v0, v2  }
0x6b: {  	[tilespmem:$0x5020] =	vst v2  }
0x6c: {  	v2 =	vld [tilespmem:s21+$0x30];
	_ =	sdelay $0x4  }
0x6d: {  	v2 =	vadd.s32 v0, v2  }
0x6e: {  	[tilespmem:$0x5030] =	vst v2  }
0x6f: {  	v2 =	vld [tilespmem:s21+$0x40];
	_ =	sdelay $0x4  }
0x70: {  	v2 =	vadd.s32 v0, v2  }
0x71: {  	[tilespmem:$0x5040] =	vst v2  }
0x72: {  	v2 =	vld [tilespmem:s21+$0x50];
	_ =	sdelay $0x4  }
0x73: {  	v2 =	vadd.s32 v0, v2  }
0x74: {  	[tilespmem:$0x5050] =	vst v2  }
0x75: {  	v2 =	vld [tilespmem:s21+$0x60];
	_ =	sdelay $0x4  }
0x76: {  	v2 =	vadd.s32 v0, v2  }
0x77: {  	[tilespmem:$0x5060] =	vst v2  }
0x78: {  	v2 =	vld [tilespmem:s21+$0x70];
	_ =	sdelay $0x4  }
0x79: {  	v2 =	vadd.s32 v0, v2  }
0x7a: {  	[tilespmem:$0x5070] =	vst v2  }
0x7b: {  	[tilespmem:s18], [sflag:$0x1] =	stream.indirect.gather [hbm4b:s4+s16], $0x80, s17, s16, $0xb8;
	[tilespmem:$0x1D080] =	vst v63  }
0x7c: {  	_ =	swait.ge [sflag:s19], $0x4000  }
0x7d: {  	[sflag:s19] =	ssyncset.done $0x0  }
0x7e: {  	s21 =	sadd.s32 $0x2800, s21;
	[sflag:s19] =	ssyncadd.s32 $0xFFFFC000  }
0x7f: {  	[spmem:s2] =	stream.indirect.scatter.add.f32 [tilespmem:s18], [sflag:$0x2], $0x80, s21, s16, $0xb8;
	[tilespmem:$0x1D080] =	vst v63  }
0x80: {  	_ =	swait.ge [sflag:s12], $0x4000  }
0x81: {  	[sflag:s12] =	ssyncset.done $0x0  }
0x82: {  	[sflag:s12] =	ssyncadd.s32 $0xFFFFC000  }
0x83: {  	[bflag:$0x0] =	sbarrier.arrive $0xFFFF  }
0x84: {  	[hbm:s8], [sflag:s14] =	dma.local [spmem:s15], $0x2800  }
0x85: {  	_ =	swait.ge [sflag:s12], $0x2800  }
0x86: {  	[sflag:s12] =	ssyncset.done $0x0  }
0x87: {  	[sflag:s12] =	ssyncadd.s32 $0xFFFFD800  }
0x88: {  	[spmem:s15], [sflag:s14] =	dma.local [hbm:s9], $0x2800  }
0x89: {  	_ =	swait.ge [sflag:s12], $0x2800  }
0x8a: {  	[sflag:s12] =	ssyncset.done $0x0  }
0x8b: {  	[sflag:s12] =	ssyncadd.s32 $0xFFFFD800  }
0x8c: {  	s30 =	simm.s32 $0x0;
	[bflag:$0x0] =	sbarrier.arrive $0xFFFF  }
0x8d: {  	v2 =	vld [tilespmem:s30+$0x0];
	_ =	sdelay $0x4  }
0x8e: {  	v2 =	vadd.s32 v1, v2  }
0x8f: {  	[tilespmem:$0x5000] =	vst v2  }
0x90: {  	v2 =	vld [tilespmem:s30+$0x10];
	_ =	sdelay $0x4  }
0x91: {  	v2 =	vadd.s32 v1, v2  }
0x92: {  	[tilespmem:$0x5010] =	vst v2  }
0x93: {  	v2 =	vld [tilespmem:s30+$0x20];
	_ =	sdelay $0x4  }
0x94: {  	v2 =	vadd.s32 v1, v2  }
0x95: {  	[tilespmem:$0x5020] =	vst v2  }
0x96: {  	v2 =	vld [tilespmem:s30+$0x30];
	_ =	sdelay $0x4  }
0x97: {  	v2 =	vadd.s32 v1, v2  }
0x98: {  	[tilespmem:$0x5030] =	vst v2  }
0x99: {  	v2 =	vld [tilespmem:s30+$0x40];
	_ =	sdelay $0x4  }
0x9a: {  	v2 =	vadd.s32 v1, v2  }
0x9b: {  	[tilespmem:$0x5040] =	vst v2  }
0x9c: {  	v2 =	vld [tilespmem:s30+$0x50];
	_ =	sdelay $0x4  }
0x9d: {  	v2 =	vadd.s32 v1, v2  }
0x9e: {  	[tilespmem:$0x5050] =	vst v2  }
0x9f: {  	v2 =	vld [tilespmem:s30+$0x60];
	_ =	sdelay $0x4  }
0xa0: {  	v2 =	vadd.s32 v1, v2  }
0xa1: {  	[tilespmem:$0x5060] =	vst v2  }
0xa2: {  	v2 =	vld [tilespmem:s30+$0x70];
	_ =	sdelay $0x4  }
0xa3: {  	v2 =	vadd.s32 v1, v2  }
0xa4: {  	[tilespmem:$0x5070] =	vst v2  }
0xa5: {  	[tilespmem:s18], [sflag:$0x1] =	stream.indirect.gather [hbm4b:s4+s16], $0x80, s17, s16, $0xb8;
	[tilespmem:$0x1D080] =	vst v63  }
0xa6: {  	_ =	swait.ge [sflag:s19], $0x4000  }
0xa7: {  	[sflag:s19] =	ssyncset.done $0x0  }
0xa8: {  	s31 =	simm.s32 $0x2800;
	[sflag:s19] =	ssyncadd.s32 $0xFFFFC000  }
0xa9: {  	[spmem:s2] =	stream.indirect.scatter.add.f32 [tilespmem:s18], [sflag:$0x2], $0x80, s31, s16, $0xb8;
	[tilespmem:$0x1D080] =	vst v63  }
0xaa: {  	_ =	swait.ge [sflag:s12], $0x4000  }
0xab: {  	s24 =	simm.s32 $0x400;
	s21 =	simm.s32 $0x200;
	[sflag:s12] =	ssyncset.done $0x0  }
.LBB2_4:
0xac: {  	s23 =	sshra.s32 s21, $0x2  }
0xad: {  	[sflag:s12] =	ssyncadd.s32 $0xFFFFC000;
	s21 =	smov.u32 s24;
	s22 =	sadd.s32 $0x200, s24  }
0xae: {  	p0 =	sne.s32 s24, $0x9E00;
	v2 =	vld [tilespmem:s23+$0x0];
	_ =	sdelay $0x4  }
0xaf: {  	v2 =	vadd.s32 v1, v2  }
0xb0: {  	[tilespmem:$0x5000] =	vst v2  }
0xb1: {  	v2 =	vld [tilespmem:s23+$0x10];
	_ =	sdelay $0x4  }
0xb2: {  	v2 =	vadd.s32 v1, v2  }
0xb3: {  	[tilespmem:$0x5010] =	vst v2  }
0xb4: {  	v2 =	vld [tilespmem:s23+$0x20];
	_ =	sdelay $0x4  }
0xb5: {  	v2 =	vadd.s32 v1, v2  }
0xb6: {  	[tilespmem:$0x5020] =	vst v2  }
0xb7: {  	v2 =	vld [tilespmem:s23+$0x30];
	_ =	sdelay $0x4  }
0xb8: {  	v2 =	vadd.s32 v1, v2  }
0xb9: {  	[tilespmem:$0x5030] =	vst v2  }
0xba: {  	v2 =	vld [tilespmem:s23+$0x40];
	_ =	sdelay $0x4  }
0xbb: {  	v2 =	vadd.s32 v1, v2  }
0xbc: {  	[tilespmem:$0x5040] =	vst v2  }
0xbd: {  	v2 =	vld [tilespmem:s23+$0x50];
	_ =	sdelay $0x4  }
0xbe: {  	v2 =	vadd.s32 v1, v2  }
0xbf: {  	[tilespmem:$0x5050] =	vst v2  }
0xc0: {  	v2 =	vld [tilespmem:s23+$0x60];
	_ =	sdelay $0x4  }
0xc1: {  	v2 =	vadd.s32 v1, v2  }
0xc2: {  	[tilespmem:$0x5060] =	vst v2  }
0xc3: {  	v2 =	vld [tilespmem:s23+$0x70];
	_ =	sdelay $0x4  }
0xc4: {  	v2 =	vadd.s32 v1, v2  }
0xc5: {  	[tilespmem:$0x5070] =	vst v2  }
0xc6: {  	[tilespmem:s18], [sflag:$0x1] =	stream.indirect.gather [hbm4b:s4+s16], $0x80, s17, s16, $0xb8;
	[tilespmem:$0x1D080] =	vst v63  }
0xc7: {  	_ =	swait.ge [sflag:s19], $0x4000  }
.Ltmp1:
0xc8: {  	[sflag:s19] =	ssyncset.done $0x0;
	(pc) =	sbr.rel @p0 .LBB2_4-.Ltmp1, $4  }
0xc9: {  	s23 =	sadd.s32 $0x2800, s23;
	[sflag:s19] =	ssyncadd.s32 $0xFFFFC000  }
0xca: {  	[spmem:s2] =	stream.indirect.scatter.add.f32 [tilespmem:s18], [sflag:$0x2], $0x80, s23, s16, $0xb8;
	[tilespmem:$0x1D080] =	vst v63  }
0xcb: {  	_ =	swait.ge [sflag:s12], $0x4000  }
0xcc: {  	s24 =	smov.u32 s22;
	[sflag:s12] =	ssyncset.done $0x0  }
0xcd: {  	s21 =	sshra.s32 s21, $0x2;
	[sflag:s12] =	ssyncadd.s32 $0xFFFFC000  }
0xce: {  	v2 =	vld [tilespmem:s21+$0x0];
	_ =	sdelay $0x4  }
0xcf: {  	v2 =	vadd.s32 v1, v2  }
0xd0: {  	[tilespmem:$0x5000] =	vst v2  }
0xd1: {  	v2 =	vld [tilespmem:s21+$0x10];
	_ =	sdelay $0x4  }
0xd2: {  	v2 =	vadd.s32 v1, v2  }
0xd3: {  	[tilespmem:$0x5010] =	vst v2  }
0xd4: {  	v2 =	vld [tilespmem:s21+$0x20];
	_ =	sdelay $0x4  }
0xd5: {  	v2 =	vadd.s32 v1, v2  }
0xd6: {  	[tilespmem:$0x5020] =	vst v2  }
0xd7: {  	v2 =	vld [tilespmem:s21+$0x30];
	_ =	sdelay $0x4  }
0xd8: {  	v2 =	vadd.s32 v1, v2  }
0xd9: {  	[tilespmem:$0x5030] =	vst v2  }
0xda: {  	v2 =	vld [tilespmem:s21+$0x40];
	_ =	sdelay $0x4  }
0xdb: {  	v2 =	vadd.s32 v1, v2  }
0xdc: {  	[tilespmem:$0x5040] =	vst v2  }
0xdd: {  	v2 =	vld [tilespmem:s21+$0x50];
	_ =	sdelay $0x4  }
0xde: {  	v2 =	vadd.s32 v1, v2  }
0xdf: {  	[tilespmem:$0x5050] =	vst v2  }
0xe0: {  	v2 =	vld [tilespmem:s21+$0x60];
	_ =	sdelay $0x4  }
0xe1: {  	v2 =	vadd.s32 v1, v2  }
0xe2: {  	[tilespmem:$0x5060] =	vst v2  }
0xe3: {  	v2 =	vld [tilespmem:s21+$0x70];
	_ =	sdelay $0x4  }
0xe4: {  	v2 =	vadd.s32 v1, v2  }
0xe5: {  	[tilespmem:$0x5070] =	vst v2  }
0xe6: {  	[tilespmem:s18], [sflag:$0x1] =	stream.indirect.gather [hbm4b:s4+s16], $0x80, s17, s16, $0xb8;
	[tilespmem:$0x1D080] =	vst v63  }
0xe7: {  	_ =	swait.ge [sflag:s19], $0x4000  }
0xe8: {  	[sflag:s19] =	ssyncset.done $0x0  }
0xe9: {  	s21 =	sadd.s32 $0x2800, s21;
	[sflag:s19] =	ssyncadd.s32 $0xFFFFC000  }
0xea: {  	[spmem:s2] =	stream.indirect.scatter.add.f32 [tilespmem:s18], [sflag:$0x2], $0x80, s21, s16, $0xb8;
	[tilespmem:$0x1D080] =	vst v63  }
0xeb: {  	_ =	swait.ge [sflag:s12], $0x4000  }
0xec: {  	s20 =	sadd.s32 $0x1, s20;
	[sflag:s12] =	ssyncset.done $0x0  }
0xed: {  	p0 =	sne.s32 s20, s11;
	[sflag:s12] =	ssyncadd.s32 $0xFFFFC000  }
.Ltmp2:
0xee: {  	[bflag:$0x0] =	sbarrier.arrive $0xFFFF;
	(pc) =	sbr.rel @p0 .LBB2_1-.Ltmp2, $4  }
0xef: {  	[hbm:s10], [sflag:s14] =	dma.local [spmem:s15], $0x2800  }
0xf0: {  	_ =	swait.ge [sflag:s12], $0x2800  }
0xf1: {  	[sflag:s12] =	ssyncset.done $0x0  }
0xf2: {  	[sflag:s12] =	ssyncadd.s32 $0xFFFFD800  }
0xf3: {  	_ =	sfence.sel $0x180000  }
0xf4: {  	[bflag:$0x0] =	sbarrier.arrive $0xFFFF  }
0xf5: {  	p0 =	sne.s32 s1, $0x0;
	_ =	strace $0x9000004D  }
0xf6: {  	s0 =	sadd.s32 @!p0 $0x100000, s0;
	[bflag:$0x2] =	sbarrier.arrive $0xFFFF  }
0xf7: {  	[sflag:s0] =	ssyncadd.tile.s32 @!p0 $0x1;
	_ =	shalt  }
.Lfunc_end2:
_tile_overlayer_lowered:
.L_overlay_start_2:
0xf8: {  	(tag) =	ssettag $0x2  }
0xf9: {  	s0 =	rddreg [dreg:$0x0];
	s2 =	stileid.u32  }
0xfa: {  	s1 =	rddreg [dreg:$0x1];
	p0 =	sne.s32 s2, $0x0  }
0xfb: {  	s3 =	rddreg [dreg:$0x2];
	[bflag:$0x3] =	sbarrier.arrive $0xFFFF;
	s2 =	simm.s32 @!p0 $0x1C02  }
0xfc: {  	[timem:s3], [sflag:s2] =	dma.local @!p0 [hbm:s0], s1  }
0xfd: {  	s0 =	simm.s32 @!p0 $0x2  }
0xfe: {  	_ =	swait.ge @!p0 [sflag:s0], s1  }
0xff: {  	s1 =	ssub.s32 @!p0 $0x0, s1;
	[sflag:s0] =	ssyncset.done @!p0 $0x0  }
0x100: {  	[sflag:s0] =	ssyncadd.s32 @!p0 s1  }
0x101: {  	[bflag:$0x3] =	sbarrier.arrive $0xFFFF  }
0x102: {  	_ =	shalt  }

// kernel: kernel.8.cloned.1.call-start
scs
__scs_entry_jumppad:
0x0: {  	(pc) =	sbr.rel $0x88, $3  }
0x1: {  	(tag) =	ssettag $0x0;
	lr =	simm.s32 $0x1  }
0x2: {  	[smem:$0x3F99] =	sst lr;
	_ =	strace $0xD0000000  }
0x3: {  	_ = 	snop  }
0x4: {  	_ = 	snop  }
0x5: {  	_ = 	snop  }
0x6: {  	_ = 	snop  }
0x7: {  	_ = 	snop  }
__scs_overlays_trampoline_lowered:
0x8: {  	[smem:$0x3FA8] =	sst s0  }
0x9: {  	[smem:$0x3FA9] =	sst s1  }
0xa: {  	[smem:$0x3FAA] =	sst s2  }
0xb: {  	[smem:$0x3FAB] =	sst s3  }
0xc: {  	[smem:$0x3FAC] =	sst s4  }
0xd: {  	[smem:$0x3FAD] =	sst s5  }
0xe: {  	[smem:$0x3FAE] =	sst s6  }
0xf: {  	[smem:$0x3FAF] =	sst s7  }
0x10: {  	[smem:$0x3FB0] =	sst s8  }
0x11: {  	[smem:$0x3FB1] =	sst s9;
	s0 =	simm.s32 @!p0 $0x0  }
0x12: {  	s1 =	sld [smem:$0x3F97];
	s0 =	simm.s32 @p0 $0x1  }
0x13: {  	[smem:$0x3FB2] =	sst s0;
	s0 =	simm.s32 @!p1 $0x0  }
0x14: {  	s2 =	sld [smem:$0x3F96];
	s0 =	simm.s32 @p1 $0x1  }
0x15: {  	[smem:$0x3FB3] =	sst s0;
	s0 =	simm.s32 @!p2 $0x0  }
0x16: {  	s3 =	sld [smem:$0x3FDB];
	s0 =	simm.s32 @p2 $0x1  }
0x17: {  	s4 =	simm.s32 $0x1BF5;
	[smem:$0x3FB5] =	sst s0  }
0x18: {  	s0 =	sld [smem:$0x3F98];
	_ =	swait.ge [sflag:s4], $0x0  }
0x19: {  	s7 =	sld [smem:$0x3F99]  }
0x1a: {  	s8 =	sadd.s32 $0xFFFFE003, lr  }
0x1b: {  	s9 =	sadd.s32 $0xFFFFFEF7, lr;
	s5 =	simm.s32 $0xFFFFFFFF;
	p2 =	slt.u32 s8, $0xFFFFF086  }
0x1c: {  	p1 =	slt.u32 s9, $0xF7A;
	s5 =	simm.s32 @!p2 $0x0  }
0x1d: {  	s5 =	simm.s32 @p1 $0x1;
	p0 =	seq.s32 s7, s2  }
0x1e: {  	s7 =	smul.u32 @!p0 $0xF7A, s2;
	p2 =	seq.s32 @!p0 s5, $0x0  }
0x1f: {  	s9 =	smul.u32 $0xF7A, s1;
	s8 =	simm.s32 @!p0 $0x1BF5;
	p2 =	por !p2, p0  }
0x20: {  	[sflag:s8] =	ssyncset.s32 @!p0 $0xFFFFF086;
	s6 =	sadd.s32 @!p0 s3, s7;
	s7 =	simm.s32 @!p0 $0x108  }
0x21: {  	s3 =	sadd.s32 s3, s9;
	s6 =	sadd.s32 @!p0 $0x88, s6;
	s7 =	simm.s32 @p2 $0x1082  }
0x22: {  	[simem:s7], [sflag:s8] =	dma.local @!p0 [hbm:s6], $0xF7A  }
0x23: {  	s9 =	sor.u32 $0xD0000000, s2;
	s6 =	simm.s32 $0x108;
	_ =	swait.ge @!p0 [sflag:s8], $0x0  }
0x24: {  	s3 =	sadd.s32 $0x88, s3;
	s6 =	simm.s32 @!p1 $0x1082;
	[sflag:s4] =	ssyncset.s32 $0xFFFFF086  }
0x25: {  	[simem:s6], [sflag:s4] =	dma.local [hbm:s3], $0xF7A  }
0x26: {  	[smem:$0x3F99] =	sst s1;
	(tag) =	ssettag s2;
	_ =	strace s9  }
0x27: {  	s1 =	sld [smem:$0x3FA9]  }
0x28: {  	s2 =	sld [smem:$0x3FAA]  }
0x29: {  	s4 =	sld [smem:$0x3FAC]  }
0x2a: {  	p0 =	seq.s32 s5, $0x0;
	s5 =	sld [smem:$0x3FAD]  }
0x2b: {  	s6 =	sld [smem:$0x3FAE]  }
0x2c: {  	s7 =	sld [smem:$0x3FAF]  }
0x2d: {  	s3 =	simm.s32 $0x108;
	s8 =	sld [smem:$0x3FB0]  }
0x2e: {  	s3 =	simm.s32 @!p0 $0x1082;
	s9 =	sld [smem:$0x3FB1]  }
0x2f: {  	lr =	sadd.s32 s0, s3;
	s0 =	sld [smem:$0x3FA8]  }
0x30: {  	s3 =	sld [smem:$0x3FAB]  }
0x31: {  	[smem:$0x3FB4] =	sst s10  }
0x32: {  	s10 =	sld [smem:$0x3FB2];
	_ =	sdelay $0x3  }
0x33: {  	p0 =	seq.s32 s10, $0x1;
	s10 =	sld [smem:$0x3FB4];
	_ =	sdelay $0x3  }
0x34: {  	[smem:$0x3FB4] =	sst s10  }
0x35: {  	s10 =	sld [smem:$0x3FB3];
	_ =	sdelay $0x3  }
0x36: {  	p1 =	seq.s32 s10, $0x1;
	s10 =	sld [smem:$0x3FB4];
	_ =	sdelay $0x3  }
0x37: {  	[smem:$0x3FB4] =	sst s10  }
0x38: {  	s10 =	sld [smem:$0x3FB5]  }
0x39: {  	_ = 	snop;
	(pc) =	sbr.ind lr, $3  }
0x3a: {  	_ = 	snop  }
0x3b: {  	_ = 	snop  }
0x3c: {  	p2 =	seq.s32 s10, $0x1;
	s10 =	sld [smem:$0x3FB4]  }
0x3d: {  	_ =	shalt  }
0x3e: {  	_ =	shalt  }
0x3f: {  	_ =	shalt  }
0x40: {  	_ =	shalt  }
0x41: {  	_ =	shalt  }
0x42: {  	_ =	shalt  }
0x43: {  	_ =	shalt  }
0x44: {  	_ =	shalt  }
0x45: {  	_ =	shalt  }
0x46: {  	_ =	shalt  }
0x47: {  	_ =	shalt  }
0x48: {  	_ =	shalt  }
0x49: {  	_ =	shalt  }
0x4a: {  	_ =	shalt  }
0x4b: {  	_ =	shalt  }
0x4c: {  	_ =	shalt  }
0x4d: {  	_ =	shalt  }
0x4e: {  	_ =	shalt  }
0x4f: {  	_ =	shalt  }
0x50: {  	_ =	shalt  }
0x51: {  	_ =	shalt  }
0x52: {  	_ =	shalt  }
0x53: {  	_ =	shalt  }
0x54: {  	_ =	shalt  }
0x55: {  	_ =	shalt  }
0x56: {  	_ =	shalt  }
0x57: {  	_ =	shalt  }
0x58: {  	_ =	shalt  }
0x59: {  	_ =	shalt  }
0x5a: {  	_ =	shalt  }
0x5b: {  	_ =	shalt  }
0x5c: {  	_ =	shalt  }
0x5d: {  	_ =	shalt  }
0x5e: {  	_ =	shalt  }
0x5f: {  	_ =	shalt  }
0x60: {  	_ =	shalt  }
0x61: {  	_ =	shalt  }
0x62: {  	_ =	shalt  }
0x63: {  	_ =	shalt  }
0x64: {  	_ =	shalt  }
0x65: {  	_ =	shalt  }
0x66: {  	_ =	shalt  }
0x67: {  	_ =	shalt  }
0x68: {  	_ =	shalt  }
0x69: {  	_ =	shalt  }
0x6a: {  	_ =	shalt  }
0x6b: {  	_ =	shalt  }
0x6c: {  	_ =	shalt  }
0x6d: {  	_ =	shalt  }
0x6e: {  	_ =	shalt  }
0x6f: {  	_ =	shalt  }
0x70: {  	_ =	shalt  }
0x71: {  	_ =	shalt  }
0x72: {  	_ =	shalt  }
0x73: {  	_ =	shalt  }
0x74: {  	_ =	shalt  }
0x75: {  	_ =	shalt  }
0x76: {  	_ =	shalt  }
0x77: {  	_ =	shalt  }
0x78: {  	_ =	shalt  }
0x79: {  	_ =	shalt  }
0x7a: {  	_ =	shalt  }
0x7b: {  	_ =	shalt  }
0x7c: {  	_ =	shalt  }
0x7d: {  	_ =	shalt  }
0x7e: {  	_ =	shalt  }
0x7f: {  	_ =	shalt  }
0x80: {  	_ =	shalt  }
0x81: {  	_ =	shalt  }
0x82: {  	_ =	shalt  }
0x83: {  	_ =	shalt  }
0x84: {  	_ =	shalt  }
0x85: {  	_ =	shalt  }
0x86: {  	_ =	shalt  }
0x87: {  	_ =	shalt  }
.Lfunc_end0:
.L_simem_size_0:
called_computation_lowered:
.L_overlay_start_0:
0x88: {  	s2 =	sld [smem:$0x3FD9]  }
0x89: {  	s3 =	sld [smem:$0x3FFE];
	_ =	sdelay $0x1  }
0x8a: {  	s1 =	srdreg.scid  }
0x8b: {  	s0 =	sand.u32 $0x1, s1  }
0x8c: {  	s17 =	sshll.u32 s0, $0xA;
	s2 =	sadd.s32 s3, s2  }
0x8d: {  	s2 =	sadd.s32 s2, s17  }
0x8e: {  	[smem:$0x3FC0] =	sst s2  }
0x8f: {  	_ = 	snop  }
0x90: {  	s2 =	sld [smem:$0x3FD0];
	(tm) =	ssettm $0x1  }
0x91: {  	s18 =	sld [smem:$0x3FFB];
	_ =	sdelay $0x3  }
0x92: {  	_ =	strace s18  }
0x93: {  	s3 =	sld [smem:$0x3FFC];
	_ =	sdelay $0x3  }
0x94: {  	_ =	strace s3  }
0x95: {  	s3 =	sld [smem:$0x3FFD];
	_ =	sdelay $0x3  }
0x96: {  	_ =	strace s3  }
0x97: {  	_ =	strace $0x8FFFFFFF  }
0x98: {  	s19 =	sld [smem:$0x3FDB];
	_ =	sdelay $0x1  }
0x99: {  	s4 =	simm.s32 $_scs_section_size  }
0x9a: {  	s5 =	simm.s32 $_size__tile_overlayer_lowered;
	s6 =	simm.s32 $_tile_overlayer_lowered  }
0x9b: {  	s22 =	simm.s32 $0x1BFF;
	s21 =	sshll.u32 s6, $0x1;
	s3 =	sadd.s32 s4, s19  }
0x9c: {  	s7 =	simm.s32 $0x0;
	s20 =	sshll.u32 s5, $0x1;
	s5 =	sadd.s32 s21, s3  }
0x9d: {  	[timem:s7], [sflag:s22] =	dma.local [hbm:s5], s20  }
0x9e: {  	_ =	swait.ge [sflag:s22], s20  }
0x9f: {  	s4 =	ssub.s32 $0x0, s20;
	[sflag:s22] =	ssyncset.done $0x0  }
0xa0: {  	[sflag:s22] =	ssyncadd.s32 s4;
	_ =	sdelay $0x1  }
0xa1: {  	s23 =	simm.s32 $0x1B8B  }
0xa2: {  	_ =	swait.ge [sflag:s23], $0x1  }
0xa3: {  	[sflag:s23] =	ssyncset.done $0x0  }
0xa4: {  	s25 =	simm.s32 $0x1B8E;
	s24 =	sld [smem:$0x3FFE];
	[sflag:s23] =	ssyncadd.s32 $0xFFFFFFFF  }
0xa5: {  	s26 =	simm.s32 $execute0_lowered;
	[smem:$0x3FD2] =	sst s25  }
0xa6: {  	s5 =	sshll.u32 s26, $0x1;
	_ =	strace $0x80000046;
	[dreg:$0x1] =	wrdreg $0xFFFFFFFF  }
0xa7: {  	s28 =	simm.s32 $_size_execute0_lowered;
	s3 =	sadd.s32 s3, s5;
	[dreg:$0x0] =	wrdreg $0x0  }
0xa8: {  	s5 =	sshll.u32 s28, $0x1;
	[dreg:$0x2] =	wrdreg s3  }
0xa9: {  	[dreg:$0x3] =	wrdreg s5  }
0xaa: {  	[dreg:$0x4] =	wrdreg $0xC0  }
0xab: {  	_ =	task [dreg:s7], $0x5FFFF  }
0xac: {  	[dreg:$0x1] =	wrdreg $0xFFFFFFFF  }
0xad: {  	[dreg:$0x0] =	wrdreg $0x60  }
0xae: {  	[dreg:$0x2] =	wrdreg s2  }
0xaf: {  	[dreg:$0x3] =	wrdreg s24  }
0xb0: {  	[dreg:$0x4] =	wrdreg $0x54000  }
0xb1: {  	[dreg:$0x5] =	wrdreg $0x9  }
0xb2: {  	_ =	task.clear_ibuf [dreg:s7], $0x6FFFF;
	_ =	strace $0x90000046  }
0xb3: {  	s29 =	simm.s32 $0x9;
	_ =	strace $0x80000048  }
0xb4: {  	_ =	swait.ge [sflag:s29], $0x1  }
0xb5: {  	[sflag:s29] =	ssyncadd.s32 $0xFFFFFFFF  }
0xb6: {  	_ =	strace $0x90000048  }
0xb7: {  	_ =	sfence  }
0xb8: {  	s30 =	sld [smem:$0x0];
	_ =	sdelay $0x2  }
0xb9: {  	s31 =	sshll.u32 s1, $0xD;
	s1 =	sshrl.u32 s1, $0x2  }
0xba: {  	s3 =	sand.u32 $0x4000, s31;
	s1 =	sadd.s32 s1, s30  }
0xbb: {  	s0 =	sor.u32 s3, s0;
	s1 =	sshll.u32 s1, $0x11  }
0xbc: {  	s0 =	sor.u32 s1, s0  }
0xbd: {  	s0 =	sadd.s32 $0x8F2B, s0  }
0xbe: {  	[sflag:s0] =	ssyncadd.remote.s32 $0x1  }
0xbf: {  	_ =	sfence.sel $0xFFFF  }
0xc0: {  	[dreg:$0x0] =	wrdreg $0xFFFFFFFF;
	(pc) =	sbr.abs _section_cstart, $3  }
0xc1: {  	[dreg:$0x1] =	wrdreg $0xFFFFFFFF  }
0xc2: {  	_ =	task.clear_ibuf [dreg:s7], $0x2FFFF;
	_ =	strace $0x9FFFFFFF  }
0xc3: {  	(tm) =	ssettm $0x7FFFFFFF  }
tec
execute0_lowered:
.L_overlay_start_1:
0x0: {  	(tag) =	ssettag $0x1  }
0x1: {  	s6 =	rddreg [dreg:$0x0]  }
0x2: {  	s7 =	rddreg [dreg:$0x1];
	s2 =	srdreg.scid  }
0x3: {  	s1 =	rddreg [dreg:$0x2];
	s8 =	sand.u32 $0x1, s2  }
0x4: {  	s2 =	stileid.u32;
	s5 =	smul.u32 $0x140000, s8  }
0x5: {  	s0 =	rddreg [dreg:$0x3];
	s3 =	simm.s32 $0x0;
	s9 =	smul.u32 $0x14000, s2  }
0x6: {  	s13 =	simm.s32 $0x80;
	s14 =	simm.s32 $0x0;
	s10 =	smul.u32 $0x14000, s8  }
0x7: {  	[smem:$0x7FF] =	sst s3;
	s4 =	sadd.s32 $0x4600, s7;
	s11 =	smul.u32 $0x1400, s2  }
0x8: {  	_ =	strace $0x80000047;
	s12 =	smul.u32 $0x50000, s2;
	s8 =	ssub.s32 $0x2, s8  }
0x9: {  	s31 =	sshll.u32 s2, $0x6;
	s29 =	sshrl.u32 s8, $0x1;
	s9 =	sadd.s32 s9, s5  }
0xa: {  	s5 =	sadd.s32 $0x1E00, s7;
	s28 =	sadd.s32 s11, s10;
	s30 =	sshrl.u32 s12, $0x2  }
0xb: {  	s8 =	ssub.s32 s8, s29;
	s10 =	simm.s32 $0x1400;
	s11 =	sor.u32 $0x1C01, s31  }
0xc: {  	s9 =	sshrl.u32 s9, $0x3;
	s12 =	sadd.s32 s30, s1;
	s8 =	smax.u32 s8, $0x1  }
0xd: {  	s7 =	sadd.s32 s9, s7;
	s9 =	sshrl.u32 s28, $0x3;
	s12 =	sshrl.u32 s12, $0x3  }
0xe: {  	s6 =	sadd.s32 s6, s9;
	s7 =	sadd.s32 $0x4E00, s7;
	s9 =	simm.s32 $0x1  }
.LBB2_1:
0xf: {  	[tilespmem:s3], [sflag:$0x1] =	stream.linear.gather [hbm4b:s6+s3], $0x1400, $0x38;
	[tilespmem:$0x7C00] =	vst v63  }
0x10: {  	_ =	swait.ge [sflag:s9], $0x1400  }
0x11: {  	[sflag:s9] =	ssyncset.done $0x0  }
0x12: {  	[sflag:s9] =	ssyncadd.s32 $0xFFFFEC00  }
0x13: {  	[tilespmem:s10], [sflag:$0x1] =	stream.linear.gather [hbm4b:s4+s3], $0x4000, $0x38;
	[tilespmem:$0x7C00] =	vst v63  }
0x14: {  	_ =	swait.ge [sflag:s9], $0x4000  }
0x15: {  	[sflag:s9] =	ssyncset.done $0x0  }
0x16: {  	[sflag:s9] =	ssyncadd.s32 $0xFFFFC000  }
0x17: {  	[spmem:s12], [sflag:s11] =	dma.local [hbm:s5], $0x2800  }
0x18: {  	_ =	swait.ge [sflag:s9], $0x2800  }
0x19: {  	[sflag:s9] =	ssyncset.done $0x0  }
0x1a: {  	[sflag:s9] =	ssyncadd.s32 $0xFFFFD800  }
0x1b: {  	s15 =	simm.s32 $0x0;
	[bflag:$0x0] =	sbarrier.arrive $0xFFFF  }
0x1c: {  	[spmem:s1] =	stream.indirect.scatter.add.f32 [tilespmem:s10], [sflag:$0x1], $0x10, s15, s13, $0xb8;
	[tilespmem:$0x7C00] =	vst v63  }
0x1d: {  	_ =	swait.ge [sflag:s9], $0x800  }
0x1e: {  	s15 =	simm.s32 $0x200;
	[sflag:s9] =	ssyncset.done $0x0  }
.LBB2_2:
0x1f: {  	s16 =	sshra.s32 s15, $0x2;
	[sflag:s9] =	ssyncadd.s32 $0xFFFFF800;
	p0 =	sne.s32 s15, $0x4E00  }
0x20: {  	[spmem:s1] =	stream.indirect.scatter.add.f32 [tilespmem:s10], [sflag:$0x1], $0x10, s16, s13, $0xb8;
	[tilespmem:$0x7C00] =	vst v63  }
.Ltmp0:
0x21: {  	_ = 	snop;
	(pc) =	sbr.rel @p0 .LBB2_2-.Ltmp0, $4  }
0x22: {  	_ = 	snop  }
0x23: {  	s15 =	sadd.s32 $0x200, s15  }
0x24: {  	_ =	swait.ge [sflag:s9], $0x800  }
0x25: {  	[sflag:s9] =	ssyncset.done $0x0  }
0x26: {  	s14 =	sadd.s32 $0x1, s14  }
0x27: {  	[sflag:s9] =	ssyncadd.s32 $0xFFFFF800;
	p0 =	sne.s32 s14, s8  }
.Ltmp1:
0x28: {  	[bflag:$0x0] =	sbarrier.arrive $0xFFFF;
	(pc) =	sbr.rel @p0 .LBB2_1-.Ltmp1, $4  }
0x29: {  	[hbm:s7], [sflag:s11] =	dma.local [spmem:s12], $0x2800  }
0x2a: {  	_ =	swait.ge [sflag:s9], $0x2800  }
0x2b: {  	[sflag:s9] =	ssyncset.done $0x0  }
0x2c: {  	[sflag:s9] =	ssyncadd.s32 $0xFFFFD800  }
0x2d: {  	_ =	sfence.sel $0x180000  }
0x2e: {  	[bflag:$0x0] =	sbarrier.arrive $0xFFFF  }
0x2f: {  	p0 =	sne.s32 s2, $0x0;
	_ =	strace $0x90000047  }
0x30: {  	s0 =	sadd.s32 @!p0 $0x100000, s0;
	[bflag:$0x2] =	sbarrier.arrive $0xFFFF  }
0x31: {  	[sflag:s0] =	ssyncadd.tile.s32 @!p0 $0x1;
	_ =	shalt  }
.Lfunc_end2:
_tile_overlayer_lowered:
.L_overlay_start_2:
0x32: {  	(tag) =	ssettag $0x2  }
0x33: {  	s0 =	rddreg [dreg:$0x0];
	s2 =	stileid.u32  }
0x34: {  	s1 =	rddreg [dreg:$0x1];
	p0 =	sne.s32 s2, $0x0  }
0x35: {  	s3 =	rddreg [dreg:$0x2];
	[bflag:$0x3] =	sbarrier.arrive $0xFFFF;
	s2 =	simm.s32 @!p0 $0x1C01  }
0x36: {  	[timem:s3], [sflag:s2] =	dma.local @!p0 [hbm:s0], s1  }
0x37: {  	s0 =	simm.s32 @!p0 $0x1  }
0x38: {  	_ =	swait.ge @!p0 [sflag:s0], s1  }
0x39: {  	s1 =	ssub.s32 @!p0 $0x0, s1;
	[sflag:s0] =	ssyncset.done @!p0 $0x0  }
0x3a: {  	[sflag:s0] =	ssyncadd.s32 @!p0 s1  }
0x3b: {  	[bflag:$0x3] =	sbarrier.arrive $0xFFFF  }
0x3c: {  	_ =	shalt  }

</sc_bundles>
